<compile_context>
chip_gen: v7x
topology: tpu7x:2x2x1
jax: 0.10.2.dev20260603
libtpu: 0.0.44.dev20260713+nightly
codegen_flags: <defaults>
</compile_context>

<pallas_src>
import functools

import jax
import jax.numpy as jnp
from jax import lax
from jax.experimental import pallas as pl
from jax.experimental.pallas import tpu as pltpu
from jax.experimental.pallas import tpu_sc as plsc

NC = 2
NS = 16
W = 144
CK = 80


def _seg_body(xaug, ei, zrows, out, acc, sidx, didx, rows, sem):
    c = lax.axis_index("c")
    s = lax.axis_index("s")
    n = acc.shape[0]
    npt = n // NS
    pltpu.sync_copy(zrows, acc.at[pl.ds(s * npt, npt)])
    plsc.subcore_barrier()
    e = ei.shape[1]
    ept = e // (NC * NS)
    base = (c * NS + s) * ept

    def body(j, carry):
        b = base + j * CK
        pltpu.sync_copy(ei.at[0, pl.ds(b, CK)], sidx)
        pltpu.sync_copy(ei.at[1, pl.ds(b, CK)], didx)
        pltpu.async_copy(xaug.at[sidx], rows, sem).wait()
        pltpu.sync_copy(rows, acc.at[didx], add=True)
        return carry

    lax.fori_loop(0, ept // CK, body, 0)
    plsc.subcore_barrier()
    pltpu.sync_copy(acc.at[pl.ds(s * npt, npt)],
                    out.at[c, pl.ds(s * npt, npt)])


def _enc_body(xr, pr, w1r, b1r, wmur, wsgr, ar, br):
    msg = pr[0] + pr[1]
    deg = jnp.maximum(msg[:, 128:129], 1.0)
    agg = msg[:, :128] / deg
    xa = xr[...] + agg
    h = jnp.maximum(
        jnp.dot(xa, w1r[...], preferred_element_type=jnp.float32) + b1r[...],
        0.0)
    mu = jnp.dot(h, wmur[...], preferred_element_type=jnp.float32)
    z = jnp.dot(h, wsgr[...], preferred_element_type=jnp.float32)
    sig = (jnp.where(z > 0, z, jnp.exp(z) - 1.0) + 1.0) + 1e-14
    pinv = 1.0 / sig
    q = mu * pinv
    slog = jnp.sum(jnp.log(sig), axis=1, keepdims=True)
    rmu = jnp.sum(mu * q, axis=1, keepdims=True)
    zs = jnp.zeros((xa.shape[0], W - 129), jnp.float32)
    ar[...] = jnp.concatenate([pinv, q, rmu + slog, zs], axis=1)
    br[...] = jnp.concatenate([sig + mu * mu, -2.0 * mu, slog, zs], axis=1)


def _pair_body(atab, btab, hp, hn, out, aidx, bidx, arows, brows, accv, sem):
    c = lax.axis_index("c")
    s = lax.axis_index("s")
    e = hp.shape[1]
    ept = e // (NC * NS)
    base = (c * NS + s) * ept
    rows16 = [jnp.arange(16, dtype=jnp.int32) + g * 16 for g in range(CK // 16)]

    def make_body(hop, is_pos):
        def body(j, acc):
            b = base + j * CK
            pltpu.sync_copy(hop.at[0, pl.ds(b, CK)], aidx)
            pltpu.sync_copy(hop.at[1, pl.ds(b, CK)], bidx)
            cpa = pltpu.async_copy(atab.at[aidx], arows, sem)
            cpb = pltpu.async_copy(btab.at[bidx], brows, sem)
            cpa.wait()
            cpb.wait()
            z16 = jnp.zeros((16,), jnp.float32)
            for g in range(CK // 16):
                r = rows16[g]

                def dot_body(l, accs, r=r):
                    a0, a1 = accs
                    c0 = jnp.zeros((16,), jnp.int32) + l
                    c1 = c0 + 1
                    va0 = plsc.load_gather(arows, [r, c0])
                    vb0 = plsc.load_gather(brows, [r, c0])
                    va1 = plsc.load_gather(arows, [r, c1])
                    vb1 = plsc.load_gather(brows, [r, c1])
                    return (a0 + va0 * vb0, a1 + va1 * vb1)

                a0, a1 = plsc.parallel_loop(
                    0, 128, 2, unroll=4, carry=(z16, z16))(dot_body)
                dacc = a0 + a1
                col = jnp.full((16,), 128, jnp.int32)
                rsx = plsc.load_gather(arows, [r, col])
                sy = plsc.load_gather(brows, [r, col])
                en = 0.5 * (dacc + rsx - sy) - 32.0
                if is_pos:
                    acc = acc + en * en
                else:
                    acc = acc + jnp.exp(-en)
            return acc

        return body

    acc = jnp.zeros((16,), jnp.float32)
    acc = lax.fori_loop(0, ept // CK, make_body(hp, True), acc)
    acc = lax.fori_loop(0, ept // CK, make_body(hn, False), acc)
    accv[...] = acc
    pltpu.sync_copy(accv, out.at[c, s])


@functools.lru_cache(maxsize=None)
def _build(n, e, d, lout):
    mesh = plsc.VectorSubcoreMesh(core_axis_name="c", subcore_axis_name="s",
                                  num_cores=NC, num_subcores=NS)
    sc_params = pltpu.CompilerParams(use_tc_tiling_on_sc=False,
                                     needs_layout_passes=False)
    seg = pl.kernel(
        _seg_body,
        out_type=jax.ShapeDtypeStruct((NC, n, W), jnp.float32),
        mesh=mesh,
        compiler_params=sc_params,
        scratch_types=[
            pltpu.VMEM_SHARED((n, W), jnp.float32),
            pltpu.VMEM((CK,), jnp.int32),
            pltpu.VMEM((CK,), jnp.int32),
            pltpu.VMEM((CK, W), jnp.float32),
            pltpu.SemaphoreType.DMA,
        ],
    )

    rb = 1000
    grid = n // rb
    enc = pl.pallas_call(
        _enc_body,
        grid=(grid,),
        in_specs=[
            pl.BlockSpec((rb, d), lambda i: (i, 0)),
            pl.BlockSpec((NC, rb, W), lambda i: (0, i, 0)),
            pl.BlockSpec((d, d), lambda i: (0, 0)),
            pl.BlockSpec((1, d), lambda i: (0, 0)),
            pl.BlockSpec((d, lout), lambda i: (0, 0)),
            pl.BlockSpec((d, lout), lambda i: (0, 0)),
        ],
        out_specs=[
            pl.BlockSpec((rb, W), lambda i: (i, 0)),
            pl.BlockSpec((rb, W), lambda i: (i, 0)),
        ],
        out_shape=[
            jax.ShapeDtypeStruct((n, W), jnp.float32),
            jax.ShapeDtypeStruct((n, W), jnp.float32),
        ],
    )

    pair = pl.kernel(
        _pair_body,
        out_type=jax.ShapeDtypeStruct((NC, NS, 16), jnp.float32),
        mesh=mesh,
        compiler_params=sc_params,
        scratch_types=[
            pltpu.VMEM((CK,), jnp.int32),
            pltpu.VMEM((CK,), jnp.int32),
            pltpu.VMEM((CK, W), jnp.float32),
            pltpu.VMEM((CK, W), jnp.float32),
            pltpu.VMEM((16,), jnp.float32),
            pltpu.SemaphoreType.DMA,
        ],
    )
    return seg, enc, pair


def kernel(x, edge_index, hop_pos, hop_neg, W1, b1, W_mu, W_sigma):
    n, d = x.shape
    e = edge_index.shape[1]
    lout = W_mu.shape[1]
    seg, enc, pair = _build(n, e, d, lout)
    xaug = jnp.concatenate(
        [x, jnp.ones((n, 1), jnp.float32), jnp.zeros((n, W - d - 1), jnp.float32)],
        axis=1)
    zrows = jnp.zeros((n // NS, W), jnp.float32)
    partials = seg(xaug, edge_index, zrows)
    a_tab, b_tab = enc(x, partials, W1, b1.reshape(1, -1), W_mu, W_sigma)
    psums = pair(a_tab, b_tab, hop_pos, hop_neg)
    return jnp.sum(psums) / e

# --- scband reference (transcript-rebuilt; emitter-appended) ---
"""Pipeline reference for scband-g2-g-20804821582433 (READ-ONLY COPY).

The authoritative reference and input builder live on the scoring server;
editing this copy changes nothing except your own understanding.
"""

import jax, jax.numpy as jnp
import numpy as np

N = 10000
E = 320000
D = 128
L = 64


def setup_inputs(seed: int = 0) -> dict:
    key = jax.random.key(seed)
    k1, k2, k3, k4, k5, k6, k7, k8 = jax.random.split(key, 8)
    x = jax.random.normal(k1, (N, D), dtype=jnp.float32)
    edge_index = jax.random.randint(k2, (2, E), 0, N, dtype=jnp.int32)
    hop_pos = jax.random.randint(k3, (2, E), 0, N, dtype=jnp.int32)
    hop_neg = jax.random.randint(k4, (2, E), 0, N, dtype=jnp.int32)
    # Encoder parameters (simple GNN encoder producing Gaussian embeddings)
    W1 = jax.random.normal(k5, (D, D), dtype=jnp.float32) * (1.0 / np.sqrt(D))
    b1 = jnp.zeros((D,), dtype=jnp.float32)
    W_mu = jax.random.normal(k6, (D, L), dtype=jnp.float32) * (1.0 / np.sqrt(D))
    W_sigma = jax.random.normal(k7, (D, L), dtype=jnp.float32) * (1.0 / np.sqrt(D))
    return {"x": x, "edge_index": edge_index, "hop_pos": hop_pos, "hop_neg": hop_neg,
            "W1": W1, "b1": b1, "W_mu": W_mu, "W_sigma": W_sigma}


def _encoder(x, edge_index, W1, b1, W_mu, W_sigma):
    src = edge_index[0]
    dst = edge_index[1]
    msg = jax.ops.segment_sum(x[src], dst, num_segments=N)
    deg = jax.ops.segment_sum(jnp.ones((E,), dtype=x.dtype), dst, num_segments=N)
    agg = msg / jnp.maximum(deg, 1.0)[:, None]
    h = jax.nn.relu((x + agg) @ W1 + b1)
    mu = h @ W_mu
    sigma = jax.nn.elu(h @ W_sigma) + 1.0 + 1e-14
    return mu, sigma


def _score_pairs_kldiv(mu, sigma, nodes_x, nodes_y):
    mu_x = mu[nodes_x]
    mu_y = mu[nodes_y]
    sigma_x = sigma[nodes_x]
    sigma_y = sigma[nodes_y]
    sigma_ratio = sigma_y / sigma_x
    trace_fac = sigma_ratio.sum(axis=1)
    log_det = jnp.log(sigma_ratio + 1e-14).sum(axis=1)
    mu_diff_sq = ((mu_x - mu_y) ** 2 / sigma_x).sum(axis=1)
    return -0.5 * (trace_fac + mu_diff_sq - L - log_det)


def reference(x, edge_index, hop_pos, hop_neg, W1, b1, W_mu, W_sigma):
    mu, sigma = _encoder(x, edge_index, W1, b1, W_mu, W_sigma)
    pos_energy = -_score_pairs_kldiv(mu, sigma, hop_pos[0], hop_pos[1])
    neg_energy = -_score_pairs_kldiv(mu, sigma, hop_neg[0], hop_neg[1])
    loss = (pos_energy ** 2 + jnp.exp(-neg_energy)).mean()
    return loss

if __name__ == "__main__":
    import jax
    _d = setup_inputs()
    print(jax.jit(kernel)(*tuple(_d.values())))

</pallas_src>

<mosaic_0001>
#map = affine_map<(d0, d1) -> (0, 0)>
#map1 = affine_map<(d0, d1) -> (0, 0, 0)>
module attributes {stable_mosaic.version = 14 : i64} {
  func.func @_seg_body(%arg0: i32, %arg1: i32, %arg2: memref<10000x144xf32, #tpu.memory_space<hbm>>, %arg3: memref<2x320000xi32, #tpu.memory_space<hbm>>, %arg4: memref<625x144xf32, #tpu.memory_space<hbm>>, %arg5: memref<2x10000x144xf32, #tpu.memory_space<hbm>>, %arg6: memref<10000x144xf32, #tpu.memory_space<vmem_shared>>, %arg7: memref<80xi32, #tpu.memory_space<vmem>>, %arg8: memref<80xi32, #tpu.memory_space<vmem>>, %arg9: memref<80x144xf32, #tpu.memory_space<vmem>>, %arg10: memref<!tpu.dma_semaphore, #tpu.memory_space<semaphore_mem>>) attributes {dimension_semantics = [#tpu.dimension_semantics<core_parallel>, #tpu.dimension_semantics<subcore_parallel>], iteration_bounds = array<i64: 2, 16>, scalar_prefetch = 0 : i64, scratch_operands = 5 : i64, tpu.core_type = #tpu.core_type<sc_vector_subcore>, window_params = [{transform_indices = #map}, {transform_indices = #map}, {transform_indices = #map}, {transform_indices = #map1}]} {
    %mul3A = arith.constant 625 : i32
    %mul3A_0 = arith.muli %arg1, %mul3A : i32
    "tpu.region"() ({
      %run_scoped3A = tpu.sem_alloc : memref<!tpu.dma_semaphore, #tpu.memory_space<semaphore_mem>>
      %dma_start3A = arith.constant 0 : i32
      %dma_start3A_15 = tpu.memref_slice %arg6[%mul3A_0, %dma_start3A] : memref<10000x144xf32, #tpu.memory_space<vmem_shared>> -> memref<625x144xf32, #tpu.memory_space<vmem_shared>>
      tpu.enqueue_dma source(%arg4 : memref<625x144xf32, #tpu.memory_space<hbm>>) target(%dma_start3A_15 : memref<625x144xf32, #tpu.memory_space<vmem_shared>>) target_semaphore(%run_scoped3A : memref<!tpu.dma_semaphore, #tpu.memory_space<semaphore_mem>>)
      %dma_wait3A = arith.constant 0 : i32
      %dma_wait3A_16 = tpu.memref_slice %arg6[%mul3A_0, %dma_wait3A] : memref<10000x144xf32, #tpu.memory_space<vmem_shared>> -> memref<625x144xf32, #tpu.memory_space<vmem_shared>>
      tpu.wait_dma2 semaphore(%run_scoped3A : memref<!tpu.dma_semaphore, #tpu.memory_space<semaphore_mem>>) src(%arg4 : memref<625x144xf32, #tpu.memory_space<hbm>>) dst(%dma_wait3A_16 : memref<625x144xf32, #tpu.memory_space<vmem_shared>>)
      tpu.yield
    }) : () -> ()
    %barrier3A = arith.constant 0 : index
    tpu.barrier barrier_id(%barrier3A)
    %mul3A_1 = arith.constant 16 : i32
    %mul3A_2 = arith.muli %arg0, %mul3A_1 : i32
    %add3A = arith.addi %mul3A_2, %arg1 : i32
    %mul3A_3 = arith.constant 10000 : i32
    %mul3A_4 = arith.muli %add3A, %mul3A_3 : i32
    %scan3A = arith.constant 0 : i32
    %scan3A_5 = arith.constant 0 : i32
    %scan3A_6 = arith.constant 125 : i32
    %scan3A_7 = arith.addi %scan3A_5, %scan3A_6 : i32
    %scan3A_8 = arith.constant 1 : i32
    scf.for %scan3A_15 = %scan3A_5 to %scan3A_7 step %scan3A_8  : i32 {
      %mul3A_16 = arith.constant 80 : i32
      %mul3A_17 = arith.muli %scan3A_15, %mul3A_16 : i32
      %add3A_18 = arith.addi %mul3A_4, %mul3A_17 : i32
      %run_scoped3A = arith.constant 0 : i32
      "tpu.region"() ({
        %run_scoped3A_24 = tpu.sem_alloc : memref<!tpu.dma_semaphore, #tpu.memory_space<semaphore_mem>>
        %dma_start3A_25 = tpu.memref_slice %arg3[%run_scoped3A, %add3A_18] : memref<2x320000xi32, #tpu.memory_space<hbm>> -> memref<1x80xi32, #tpu.memory_space<hbm>>
        %dma_start3A_26 = tpu.memref_squeeze %dma_start3A_25 : memref<1x80xi32, #tpu.memory_space<hbm>> -> memref<80xi32, #tpu.memory_space<hbm>>
        %dma_start3A_27 = tpu.memref_slice %arg3[%run_scoped3A, %add3A_18] : memref<2x320000xi32, #tpu.memory_space<hbm>> -> memref<1x80xi32, #tpu.memory_space<hbm>>
        %dma_start3A_28 = tpu.memref_squeeze %dma_start3A_27 : memref<1x80xi32, #tpu.memory_space<hbm>> -> memref<80xi32, #tpu.memory_space<hbm>>
        tpu.enqueue_dma source(%dma_start3A_28 : memref<80xi32, #tpu.memory_space<hbm>>) target(%arg7 : memref<80xi32, #tpu.memory_space<vmem>>) target_semaphore(%run_scoped3A_24 : memref<!tpu.dma_semaphore, #tpu.memory_space<semaphore_mem>>)
        %dma_wait3A_29 = tpu.memref_slice %arg3[%run_scoped3A, %add3A_18] : memref<2x320000xi32, #tpu.memory_space<hbm>> -> memref<1x80xi32, #tpu.memory_space<hbm>>
        %dma_wait3A_30 = tpu.memref_squeeze %dma_wait3A_29 : memref<1x80xi32, #tpu.memory_space<hbm>> -> memref<80xi32, #tpu.memory_space<hbm>>
        %dma_wait3A_31 = tpu.memref_slice %arg3[%run_scoped3A, %add3A_18] : memref<2x320000xi32, #tpu.memory_space<hbm>> -> memref<1x80xi32, #tpu.memory_space<hbm>>
        %dma_wait3A_32 = tpu.memref_squeeze %dma_wait3A_31 : memref<1x80xi32, #tpu.memory_space<hbm>> -> memref<80xi32, #tpu.memory_space<hbm>>
        tpu.wait_dma2 semaphore(%run_scoped3A_24 : memref<!tpu.dma_semaphore, #tpu.memory_space<semaphore_mem>>) src(%dma_wait3A_32 : memref<80xi32, #tpu.memory_space<hbm>>) dst(%arg7 : memref<80xi32, #tpu.memory_space<vmem>>)
        tpu.yield
      }) : () -> ()
      %run_scoped3A_19 = arith.constant 1 : i32
      "tpu.region"() ({
        %run_scoped3A_24 = tpu.sem_alloc : memref<!tpu.dma_semaphore, #tpu.memory_space<semaphore_mem>>
        %dma_start3A_25 = tpu.memref_slice %arg3[%run_scoped3A_19, %add3A_18] : memref<2x320000xi32, #tpu.memory_space<hbm>> -> memref<1x80xi32, #tpu.memory_space<hbm>>
        %dma_start3A_26 = tpu.memref_squeeze %dma_start3A_25 : memref<1x80xi32, #tpu.memory_space<hbm>> -> memref<80xi32, #tpu.memory_space<hbm>>
        %dma_start3A_27 = tpu.memref_slice %arg3[%run_scoped3A_19, %add3A_18] : memref<2x320000xi32, #tpu.memory_space<hbm>> -> memref<1x80xi32, #tpu.memory_space<hbm>>
        %dma_start3A_28 = tpu.memref_squeeze %dma_start3A_27 : memref<1x80xi32, #tpu.memory_space<hbm>> -> memref<80xi32, #tpu.memory_space<hbm>>
        tpu.enqueue_dma source(%dma_start3A_28 : memref<80xi32, #tpu.memory_space<hbm>>) target(%arg8 : memref<80xi32, #tpu.memory_space<vmem>>) target_semaphore(%run_scoped3A_24 : memref<!tpu.dma_semaphore, #tpu.memory_space<semaphore_mem>>)
        %dma_wait3A_29 = tpu.memref_slice %arg3[%run_scoped3A_19, %add3A_18] : memref<2x320000xi32, #tpu.memory_space<hbm>> -> memref<1x80xi32, #tpu.memory_space<hbm>>
        %dma_wait3A_30 = tpu.memref_squeeze %dma_wait3A_29 : memref<1x80xi32, #tpu.memory_space<hbm>> -> memref<80xi32, #tpu.memory_space<hbm>>
        %dma_wait3A_31 = tpu.memref_slice %arg3[%run_scoped3A_19, %add3A_18] : memref<2x320000xi32, #tpu.memory_space<hbm>> -> memref<1x80xi32, #tpu.memory_space<hbm>>
        %dma_wait3A_32 = tpu.memref_squeeze %dma_wait3A_31 : memref<1x80xi32, #tpu.memory_space<hbm>> -> memref<80xi32, #tpu.memory_space<hbm>>
        tpu.wait_dma2 semaphore(%run_scoped3A_24 : memref<!tpu.dma_semaphore, #tpu.memory_space<semaphore_mem>>) src(%dma_wait3A_32 : memref<80xi32, #tpu.memory_space<hbm>>) dst(%arg8 : memref<80xi32, #tpu.memory_space<vmem>>)
        tpu.yield
      }) : () -> ()
      %dma_start3A = arith.constant 0 : i32
      %dma_start3A_20 = arith.constant 0 : i32
      %dma_start3A_21 = tpu.memref_slice %arg2[%dma_start3A, %dma_start3A_20] : memref<10000x144xf32, #tpu.memory_space<hbm>> -> memref<10000x144xf32, #tpu.memory_space<hbm>>
      tpu.enqueue_indirect_dma source(%dma_start3A_21 : memref<10000x144xf32, #tpu.memory_space<hbm>>) target(%arg9 : memref<80x144xf32, #tpu.memory_space<vmem>>) offsets(%arg7 : memref<80xi32, #tpu.memory_space<vmem>>) semaphore(%arg10 : memref<!tpu.dma_semaphore, #tpu.memory_space<semaphore_mem>>)
      %dma_wait3A = arith.constant 0 : i32
      %dma_wait3A_22 = arith.constant 0 : i32
      %dma_wait3A_23 = tpu.memref_slice %arg2[%dma_wait3A, %dma_wait3A_22] : memref<10000x144xf32, #tpu.memory_space<hbm>> -> memref<10000x144xf32, #tpu.memory_space<hbm>>
      tpu.wait_indirect_dma semaphore(%arg10 : memref<!tpu.dma_semaphore, #tpu.memory_space<semaphore_mem>>) src(%dma_wait3A_23 : memref<10000x144xf32, #tpu.memory_space<hbm>>) dst(%arg9 : memref<80x144xf32, #tpu.memory_space<vmem>>)
      "tpu.region"() ({
        %run_scoped3A_24 = tpu.sem_alloc : memref<!tpu.dma_semaphore, #tpu.memory_space<semaphore_mem>>
        %dma_start3A_25 = arith.constant 0 : i32
        %dma_start3A_26 = arith.constant 0 : i32
        %dma_start3A_27 = tpu.memref_slice %arg6[%dma_start3A_25, %dma_start3A_26] : memref<10000x144xf32, #tpu.memory_space<vmem_shared>> -> memref<10000x144xf32, #tpu.memory_space<vmem_shared>>
        tpu.enqueue_indirect_dma source(%arg9 : memref<80x144xf32, #tpu.memory_space<vmem>>) target(%dma_start3A_27 : memref<10000x144xf32, #tpu.memory_space<vmem_shared>>) offsets(%arg8 : memref<80xi32, #tpu.memory_space<vmem>>) semaphore(%run_scoped3A_24 : memref<!tpu.dma_semaphore, #tpu.memory_space<semaphore_mem>>) {add = true}
        %dma_wait3A_28 = arith.constant 0 : i32
        %dma_wait3A_29 = arith.constant 0 : i32
        %dma_wait3A_30 = tpu.memref_slice %arg6[%dma_wait3A_28, %dma_wait3A_29] : memref<10000x144xf32, #tpu.memory_space<vmem_shared>> -> memref<10000x144xf32, #tpu.memory_space<vmem_shared>>
        tpu.wait_indirect_dma semaphore(%run_scoped3A_24 : memref<!tpu.dma_semaphore, #tpu.memory_space<semaphore_mem>>) src(%arg9 : memref<80x144xf32, #tpu.memory_space<vmem>>) dst(%dma_wait3A_30 : memref<10000x144xf32, #tpu.memory_space<vmem_shared>>)
        tpu.yield
      }) : () -> ()
    }
    %scan3A_9 = arith.constant 125 : i32
    %barrier3A_10 = arith.constant 0 : index
    tpu.barrier barrier_id(%barrier3A_10)
    %mul3A_11 = arith.constant 625 : i32
    %mul3A_12 = arith.muli %arg1, %mul3A_11 : i32
    %mul3A_13 = arith.constant 625 : i32
    %mul3A_14 = arith.muli %arg1, %mul3A_13 : i32
    "tpu.region"() ({
      %run_scoped3A = tpu.sem_alloc : memref<!tpu.dma_semaphore, #tpu.memory_space<semaphore_mem>>
      %dma_start3A = arith.constant 0 : i32
      %dma_start3A_15 = tpu.memref_slice %arg5[%arg0, %mul3A_14, %dma_start3A] : memref<2x10000x144xf32, #tpu.memory_space<hbm>> -> memref<1x625x144xf32, #tpu.memory_space<hbm>>
      %dma_start3A_16 = tpu.memref_squeeze %dma_start3A_15 : memref<1x625x144xf32, #tpu.memory_space<hbm>> -> memref<625x144xf32, #tpu.memory_space<hbm>>
      %dma_start3A_17 = arith.constant 0 : i32
      %dma_start3A_18 = tpu.memref_slice %arg6[%mul3A_12, %dma_start3A_17] : memref<10000x144xf32, #tpu.memory_space<vmem_shared>> -> memref<625x144xf32, #tpu.memory_space<vmem_shared>>
      tpu.enqueue_dma source(%dma_start3A_18 : memref<625x144xf32, #tpu.memory_space<vmem_shared>>) target(%dma_start3A_16 : memref<625x144xf32, #tpu.memory_space<hbm>>) target_semaphore(%run_scoped3A : memref<!tpu.dma_semaphore, #tpu.memory_space<semaphore_mem>>)
      %dma_wait3A = arith.constant 0 : i32
      %dma_wait3A_19 = tpu.memref_slice %arg5[%arg0, %mul3A_14, %dma_wait3A] : memref<2x10000x144xf32, #tpu.memory_space<hbm>> -> memref<1x625x144xf32, #tpu.memory_space<hbm>>
      %dma_wait3A_20 = tpu.memref_squeeze %dma_wait3A_19 : memref<1x625x144xf32, #tpu.memory_space<hbm>> -> memref<625x144xf32, #tpu.memory_space<hbm>>
      %dma_wait3A_21 = arith.constant 0 : i32
      %dma_wait3A_22 = tpu.memref_slice %arg6[%mul3A_12, %dma_wait3A_21] : memref<10000x144xf32, #tpu.memory_space<vmem_shared>> -> memref<625x144xf32, #tpu.memory_space<vmem_shared>>
      tpu.wait_dma2 semaphore(%run_scoped3A : memref<!tpu.dma_semaphore, #tpu.memory_space<semaphore_mem>>) src(%dma_wait3A_22 : memref<625x144xf32, #tpu.memory_space<vmem_shared>>) dst(%dma_wait3A_20 : memref<625x144xf32, #tpu.memory_space<hbm>>)
      tpu.yield
    }) : () -> ()
    return
  }
}

#map = affine_map<(d0, d1) -> (0, 0)>
#map1 = affine_map<(d0, d1) -> (0, 0, 0)>
module attributes {stable_mosaic.version = 14 : i64} {
  func.func @_pair_body(%arg0: i32, %arg1: i32, %arg2: memref<10000x144xf32, #tpu.memory_space<hbm>>, %arg3: memref<10000x144xf32, #tpu.memory_space<hbm>>, %arg4: memref<2x320000xi32, #tpu.memory_space<hbm>>, %arg5: memref<2x320000xi32, #tpu.memory_space<hbm>>, %arg6: memref<2x16x16xf32, #tpu.memory_space<hbm>>, %arg7: memref<80xi32, #tpu.memory_space<vmem>>, %arg8: memref<80xi32, #tpu.memory_space<vmem>>, %arg9: memref<80x144xf32, #tpu.memory_space<vmem>>, %arg10: memref<80x144xf32, #tpu.memory_space<vmem>>, %arg11: memref<16xf32, #tpu.memory_space<vmem>>, %arg12: memref<!tpu.dma_semaphore, #tpu.memory_space<semaphore_mem>>) attributes {dimension_semantics = [#tpu.dimension_semantics<core_parallel>, #tpu.dimension_semantics<subcore_parallel>], iteration_bounds = array<i64: 2, 16>, scalar_prefetch = 0 : i64, scratch_operands = 6 : i64, tpu.core_type = #tpu.core_type<sc_vector_subcore>, window_params = [{transform_indices = #map}, {transform_indices = #map}, {transform_indices = #map}, {transform_indices = #map}, {transform_indices = #map1}]} {
    %mul3A = arith.constant 16 : i32
    %mul3A_0 = arith.muli %arg0, %mul3A : i32
    %add3A = arith.addi %mul3A_0, %arg1 : i32
    %mul3A_1 = arith.constant 10000 : i32
    %mul3A_2 = arith.muli %add3A, %mul3A_1 : i32
    %iota3A = tpu.iota {dimensions = array<i32: 0>} : vector<16xi32>
    %add3A_3 = arith.constant 0 : i32
    %add3A_4 = vector.broadcast %add3A_3 : i32 to vector<16xi32>
    %add3A_5 = arith.addi %iota3A, %add3A_4 : vector<16xi32>
    %iota3A_6 = tpu.iota {dimensions = array<i32: 0>} : vector<16xi32>
    %add3A_7 = arith.constant 16 : i32
    %add3A_8 = vector.broadcast %add3A_7 : i32 to vector<16xi32>
    %add3A_9 = arith.addi %iota3A_6, %add3A_8 : vector<16xi32>
    %iota3A_10 = tpu.iota {dimensions = array<i32: 0>} : vector<16xi32>
    %add3A_11 = arith.constant 32 : i32
    %add3A_12 = vector.broadcast %add3A_11 : i32 to vector<16xi32>
    %add3A_13 = arith.addi %iota3A_10, %add3A_12 : vector<16xi32>
    %iota3A_14 = tpu.iota {dimensions = array<i32: 0>} : vector<16xi32>
    %add3A_15 = arith.constant 48 : i32
    %add3A_16 = vector.broadcast %add3A_15 : i32 to vector<16xi32>
    %add3A_17 = arith.addi %iota3A_14, %add3A_16 : vector<16xi32>
    %iota3A_18 = tpu.iota {dimensions = array<i32: 0>} : vector<16xi32>
    %add3A_19 = arith.constant 64 : i32
    %add3A_20 = vector.broadcast %add3A_19 : i32 to vector<16xi32>
    %add3A_21 = arith.addi %iota3A_18, %add3A_20 : vector<16xi32>
    %broadcast_in_dim3A = arith.constant 0.000000e+00 : f32
    %broadcast_in_dim3A_22 = vector.broadcast %broadcast_in_dim3A : f32 to vector<16xf32>
    %scan3A = arith.constant 0 : i32
    %scan3A_23 = arith.constant 125 : i32
    %scan3A_24 = arith.addi %scan3A, %scan3A_23 : i32
    %scan3A_25 = arith.constant 1 : i32
    %scan3A_26 = scf.for %scan3A_35 = %scan3A to %scan3A_24 step %scan3A_25 iter_args(%scan3A_36 = %broadcast_in_dim3A_22) -> (vector<16xf32>)  : i32 {
      %mul3A_37 = arith.constant 80 : i32
      %mul3A_38 = arith.muli %scan3A_35, %mul3A_37 : i32
      %add3A_39 = arith.addi %mul3A_2, %mul3A_38 : i32
      %run_scoped3A = arith.constant 0 : i32
      "tpu.region"() ({
        %run_scoped3A_145 = tpu.sem_alloc : memref<!tpu.dma_semaphore, #tpu.memory_space<semaphore_mem>>
        %dma_start3A_146 = tpu.memref_slice %arg4[%run_scoped3A, %add3A_39] : memref<2x320000xi32, #tpu.memory_space<hbm>> -> memref<1x80xi32, #tpu.memory_space<hbm>>
        %dma_start3A_147 = tpu.memref_squeeze %dma_start3A_146 : memref<1x80xi32, #tpu.memory_space<hbm>> -> memref<80xi32, #tpu.memory_space<hbm>>
        %dma_start3A_148 = tpu.memref_slice %arg4[%run_scoped3A, %add3A_39] : memref<2x320000xi32, #tpu.memory_space<hbm>> -> memref<1x80xi32, #tpu.memory_space<hbm>>
        %dma_start3A_149 = tpu.memref_squeeze %dma_start3A_148 : memref<1x80xi32, #tpu.memory_space<hbm>> -> memref<80xi32, #tpu.memory_space<hbm>>
        tpu.enqueue_dma source(%dma_start3A_149 : memref<80xi32, #tpu.memory_space<hbm>>) target(%arg7 : memref<80xi32, #tpu.memory_space<vmem>>) target_semaphore(%run_scoped3A_145 : memref<!tpu.dma_semaphore, #tpu.memory_space<semaphore_mem>>)
        %dma_wait3A_150 = tpu.memref_slice %arg4[%run_scoped3A, %add3A_39] : memref<2x320000xi32, #tpu.memory_space<hbm>> -> memref<1x80xi32, #tpu.memory_space<hbm>>
        %dma_wait3A_151 = tpu.memref_squeeze %dma_wait3A_150 : memref<1x80xi32, #tpu.memory_space<hbm>> -> memref<80xi32, #tpu.memory_space<hbm>>
        %dma_wait3A_152 = tpu.memref_slice %arg4[%run_scoped3A, %add3A_39] : memref<2x320000xi32, #tpu.memory_space<hbm>> -> memref<1x80xi32, #tpu.memory_space<hbm>>
        %dma_wait3A_153 = tpu.memref_squeeze %dma_wait3A_152 : memref<1x80xi32, #tpu.memory_space<hbm>> -> memref<80xi32, #tpu.memory_space<hbm>>
        tpu.wait_dma2 semaphore(%run_scoped3A_145 : memref<!tpu.dma_semaphore, #tpu.memory_space<semaphore_mem>>) src(%dma_wait3A_153 : memref<80xi32, #tpu.memory_space<hbm>>) dst(%arg7 : memref<80xi32, #tpu.memory_space<vmem>>)
        tpu.yield
      }) : () -> ()
      %run_scoped3A_40 = arith.constant 1 : i32
      "tpu.region"() ({
        %run_scoped3A_145 = tpu.sem_alloc : memref<!tpu.dma_semaphore, #tpu.memory_space<semaphore_mem>>
        %dma_start3A_146 = tpu.memref_slice %arg4[%run_scoped3A_40, %add3A_39] : memref<2x320000xi32, #tpu.memory_space<hbm>> -> memref<1x80xi32, #tpu.memory_space<hbm>>
        %dma_start3A_147 = tpu.memref_squeeze %dma_start3A_146 : memref<1x80xi32, #tpu.memory_space<hbm>> -> memref<80xi32, #tpu.memory_space<hbm>>
        %dma_start3A_148 = tpu.memref_slice %arg4[%run_scoped3A_40, %add3A_39] : memref<2x320000xi32, #tpu.memory_space<hbm>> -> memref<1x80xi32, #tpu.memory_space<hbm>>
        %dma_start3A_149 = tpu.memref_squeeze %dma_start3A_148 : memref<1x80xi32, #tpu.memory_space<hbm>> -> memref<80xi32, #tpu.memory_space<hbm>>
        tpu.enqueue_dma source(%dma_start3A_149 : memref<80xi32, #tpu.memory_space<hbm>>) target(%arg8 : memref<80xi32, #tpu.memory_space<vmem>>) target_semaphore(%run_scoped3A_145 : memref<!tpu.dma_semaphore, #tpu.memory_space<semaphore_mem>>)
        %dma_wait3A_150 = tpu.memref_slice %arg4[%run_scoped3A_40, %add3A_39] : memref<2x320000xi32, #tpu.memory_space<hbm>> -> memref<1x80xi32, #tpu.memory_space<hbm>>
        %dma_wait3A_151 = tpu.memref_squeeze %dma_wait3A_150 : memref<1x80xi32, #tpu.memory_space<hbm>> -> memref<80xi32, #tpu.memory_space<hbm>>
        %dma_wait3A_152 = tpu.memref_slice %arg4[%run_scoped3A_40, %add3A_39] : memref<2x320000xi32, #tpu.memory_space<hbm>> -> memref<1x80xi32, #tpu.memory_space<hbm>>
        %dma_wait3A_153 = tpu.memref_squeeze %dma_wait3A_152 : memref<1x80xi32, #tpu.memory_space<hbm>> -> memref<80xi32, #tpu.memory_space<hbm>>
        tpu.wait_dma2 semaphore(%run_scoped3A_145 : memref<!tpu.dma_semaphore, #tpu.memory_space<semaphore_mem>>) src(%dma_wait3A_153 : memref<80xi32, #tpu.memory_space<hbm>>) dst(%arg8 : memref<80xi32, #tpu.memory_space<vmem>>)
        tpu.yield
      }) : () -> ()
      %dma_start3A = arith.constant 0 : i32
      %dma_start3A_41 = arith.constant 0 : i32
      %dma_start3A_42 = tpu.memref_slice %arg2[%dma_start3A, %dma_start3A_41] : memref<10000x144xf32, #tpu.memory_space<hbm>> -> memref<10000x144xf32, #tpu.memory_space<hbm>>
      tpu.enqueue_indirect_dma source(%dma_start3A_42 : memref<10000x144xf32, #tpu.memory_space<hbm>>) target(%arg9 : memref<80x144xf32, #tpu.memory_space<vmem>>) offsets(%arg7 : memref<80xi32, #tpu.memory_space<vmem>>) semaphore(%arg12 : memref<!tpu.dma_semaphore, #tpu.memory_space<semaphore_mem>>)
      %dma_start3A_43 = arith.constant 0 : i32
      %dma_start3A_44 = arith.constant 0 : i32
      %dma_start3A_45 = tpu.memref_slice %arg3[%dma_start3A_43, %dma_start3A_44] : memref<10000x144xf32, #tpu.memory_space<hbm>> -> memref<10000x144xf32, #tpu.memory_space<hbm>>
      tpu.enqueue_indirect_dma source(%dma_start3A_45 : memref<10000x144xf32, #tpu.memory_space<hbm>>) target(%arg10 : memref<80x144xf32, #tpu.memory_space<vmem>>) offsets(%arg8 : memref<80xi32, #tpu.memory_space<vmem>>) semaphore(%arg12 : memref<!tpu.dma_semaphore, #tpu.memory_space<semaphore_mem>>)
      %dma_wait3A = arith.constant 0 : i32
      %dma_wait3A_46 = arith.constant 0 : i32
      %dma_wait3A_47 = tpu.memref_slice %arg2[%dma_wait3A, %dma_wait3A_46] : memref<10000x144xf32, #tpu.memory_space<hbm>> -> memref<10000x144xf32, #tpu.memory_space<hbm>>
      tpu.wait_indirect_dma semaphore(%arg12 : memref<!tpu.dma_semaphore, #tpu.memory_space<semaphore_mem>>) src(%dma_wait3A_47 : memref<10000x144xf32, #tpu.memory_space<hbm>>) dst(%arg9 : memref<80x144xf32, #tpu.memory_space<vmem>>)
      %dma_wait3A_48 = arith.constant 0 : i32
      %dma_wait3A_49 = arith.constant 0 : i32
      %dma_wait3A_50 = tpu.memref_slice %arg3[%dma_wait3A_48, %dma_wait3A_49] : memref<10000x144xf32, #tpu.memory_space<hbm>> -> memref<10000x144xf32, #tpu.memory_space<hbm>>
      tpu.wait_indirect_dma semaphore(%arg12 : memref<!tpu.dma_semaphore, #tpu.memory_space<semaphore_mem>>) src(%dma_wait3A_50 : memref<10000x144xf32, #tpu.memory_space<hbm>>) dst(%arg10 : memref<80x144xf32, #tpu.memory_space<vmem>>)
      %broadcast_in_dim3A_51 = arith.constant 0.000000e+00 : f32
      %broadcast_in_dim3A_52 = vector.broadcast %broadcast_in_dim3A_51 : f32 to vector<16xf32>
      %parallel_loop3A = arith.constant 0 : i32
      %parallel_loop3A_53 = arith.constant 128 : i32
      %parallel_loop3A_54 = arith.constant 2 : i32
      %parallel_loop3A_55:2 = scf.for %parallel_loop3A_145 = %parallel_loop3A to %parallel_loop3A_53 step %parallel_loop3A_54 iter_args(%parallel_loop3A_146 = %broadcast_in_dim3A_52, %parallel_loop3A_147 = %broadcast_in_dim3A_52) -> (vector<16xf32>, vector<16xf32>)  : i32 {
        %parallel_loop3A_148 = arith.constant 0 : i32
        %parallel_loop3A_149 = vector.broadcast %parallel_loop3A_148 : i32 to vector<16xi32>
        %parallel_loop3A_150 = vector.broadcast %parallel_loop3A_145 : i32 to vector<16xi32>
        %parallel_loop3A_151 = arith.addi %parallel_loop3A_149, %parallel_loop3A_150 : vector<16xi32>
        %parallel_loop3A_152 = arith.constant 1 : i32
        %parallel_loop3A_153 = vector.broadcast %parallel_loop3A_152 : i32 to vector<16xi32>
        %parallel_loop3A_154 = arith.addi %parallel_loop3A_151, %parallel_loop3A_153 : vector<16xi32>
        %parallel_loop3A_155 = tpu.vector_load_idx %arg9[%add3A_5, %parallel_loop3A_151] : memref<80x144xf32, #tpu.memory_space<vmem>>[vector<16xi32>, vector<16xi32>], vector<16xf32>,
        %parallel_loop3A_156 = tpu.vector_load_idx %arg10[%add3A_5, %parallel_loop3A_151] : memref<80x144xf32, #tpu.memory_space<vmem>>[vector<16xi32>, vector<16xi32>], vector<16xf32>,
        %parallel_loop3A_157 = tpu.vector_load_idx %arg9[%add3A_5, %parallel_loop3A_154] : memref<80x144xf32, #tpu.memory_space<vmem>>[vector<16xi32>, vector<16xi32>], vector<16xf32>,
        %parallel_loop3A_158 = tpu.vector_load_idx %arg10[%add3A_5, %parallel_loop3A_154] : memref<80x144xf32, #tpu.memory_space<vmem>>[vector<16xi32>, vector<16xi32>], vector<16xf32>,
        %parallel_loop3A_159 = arith.mulf %parallel_loop3A_155, %parallel_loop3A_156 : vector<16xf32>
        %parallel_loop3A_160 = arith.addf %parallel_loop3A_146, %parallel_loop3A_159 : vector<16xf32>
        %parallel_loop3A_161 = arith.mulf %parallel_loop3A_157, %parallel_loop3A_158 : vector<16xf32>
        %parallel_loop3A_162 = arith.addf %parallel_loop3A_147, %parallel_loop3A_161 : vector<16xf32>
        scf.yield %parallel_loop3A_160, %parallel_loop3A_162 : vector<16xf32>, vector<16xf32>
      } {sc.loop_unroll_factor = 4 : i64, sc.parallel_access}
      %add3A_56 = arith.addf %parallel_loop3A_55#0, %parallel_loop3A_55#1 : vector<16xf32>
      %broadcast_in_dim3A_57 = arith.constant 128 : i32
      %broadcast_in_dim3A_58 = vector.broadcast %broadcast_in_dim3A_57 : i32 to vector<16xi32>
      %gather3A = tpu.vector_load_idx %arg9[%add3A_5, %broadcast_in_dim3A_58] : memref<80x144xf32, #tpu.memory_space<vmem>>[vector<16xi32>, vector<16xi32>], vector<16xf32>,
      %gather3A_59 = tpu.vector_load_idx %arg10[%add3A_5, %broadcast_in_dim3A_58] : memref<80x144xf32, #tpu.memory_space<vmem>>[vector<16xi32>, vector<16xi32>], vector<16xf32>,
      %add3A_60 = arith.addf %add3A_56, %gather3A : vector<16xf32>
      %sub3A = arith.subf %add3A_60, %gather3A_59 : vector<16xf32>
      %mul3A_61 = arith.constant 5.000000e-01 : f32
      %mul3A_62 = vector.broadcast %mul3A_61 : f32 to vector<16xf32>
      %mul3A_63 = arith.mulf %mul3A_62, %sub3A : vector<16xf32>
      %sub3A_64 = arith.constant 3.200000e+01 : f32
      %sub3A_65 = vector.broadcast %sub3A_64 : f32 to vector<16xf32>
      %sub3A_66 = arith.subf %mul3A_63, %sub3A_65 : vector<16xf32>
      %mul3A_67 = arith.mulf %sub3A_66, %sub3A_66 : vector<16xf32>
      %add3A_68 = arith.addf %scan3A_36, %mul3A_67 : vector<16xf32>
      %parallel_loop3A_69 = arith.constant 0 : i32
      %parallel_loop3A_70 = arith.constant 128 : i32
      %parallel_loop3A_71 = arith.constant 2 : i32
      %parallel_loop3A_72:2 = scf.for %parallel_loop3A_145 = %parallel_loop3A_69 to %parallel_loop3A_70 step %parallel_loop3A_71 iter_args(%parallel_loop3A_146 = %broadcast_in_dim3A_52, %parallel_loop3A_147 = %broadcast_in_dim3A_52) -> (vector<16xf32>, vector<16xf32>)  : i32 {
        %parallel_loop3A_148 = arith.constant 0 : i32
        %parallel_loop3A_149 = vector.broadcast %parallel_loop3A_148 : i32 to vector<16xi32>
        %parallel_loop3A_150 = vector.broadcast %parallel_loop3A_145 : i32 to vector<16xi32>
        %parallel_loop3A_151 = arith.addi %parallel_loop3A_149, %parallel_loop3A_150 : vector<16xi32>
        %parallel_loop3A_152 = arith.constant 1 : i32
        %parallel_loop3A_153 = vector.broadcast %parallel_loop3A_152 : i32 to vector<16xi32>
        %parallel_loop3A_154 = arith.addi %parallel_loop3A_151, %parallel_loop3A_153 : vector<16xi32>
        %parallel_loop3A_155 = tpu.vector_load_idx %arg9[%add3A_9, %parallel_loop3A_151] : memref<80x144xf32, #tpu.memory_space<vmem>>[vector<16xi32>, vector<16xi32>], vector<16xf32>,
        %parallel_loop3A_156 = tpu.vector_load_idx %arg10[%add3A_9, %parallel_loop3A_151] : memref<80x144xf32, #tpu.memory_space<vmem>>[vector<16xi32>, vector<16xi32>], vector<16xf32>,
        %parallel_loop3A_157 = tpu.vector_load_idx %arg9[%add3A_9, %parallel_loop3A_154] : memref<80x144xf32, #tpu.memory_space<vmem>>[vector<16xi32>, vector<16xi32>], vector<16xf32>,
        %parallel_loop3A_158 = tpu.vector_load_idx %arg10[%add3A_9, %parallel_loop3A_154] : memref<80x144xf32, #tpu.memory_space<vmem>>[vector<16xi32>, vector<16xi32>], vector<16xf32>,
        %parallel_loop3A_159 = arith.mulf %parallel_loop3A_155, %parallel_loop3A_156 : vector<16xf32>
        %parallel_loop3A_160 = arith.addf %parallel_loop3A_146, %parallel_loop3A_159 : vector<16xf32>
        %parallel_loop3A_161 = arith.mulf %parallel_loop3A_157, %parallel_loop3A_158 : vector<16xf32>
        %parallel_loop3A_162 = arith.addf %parallel_loop3A_147, %parallel_loop3A_161 : vector<16xf32>
        scf.yield %parallel_loop3A_160, %parallel_loop3A_162 : vector<16xf32>, vector<16xf32>
      } {sc.loop_unroll_factor = 4 : i64, sc.parallel_access}
      %add3A_73 = arith.addf %parallel_loop3A_72#0, %parallel_loop3A_72#1 : vector<16xf32>
      %broadcast_in_dim3A_74 = arith.constant 128 : i32
      %broadcast_in_dim3A_75 = vector.broadcast %broadcast_in_dim3A_74 : i32 to vector<16xi32>
      %gather3A_76 = tpu.vector_load_idx %arg9[%add3A_9, %broadcast_in_dim3A_75] : memref<80x144xf32, #tpu.memory_space<vmem>>[vector<16xi32>, vector<16xi32>], vector<16xf32>,
      %gather3A_77 = tpu.vector_load_idx %arg10[%add3A_9, %broadcast_in_dim3A_75] : memref<80x144xf32, #tpu.memory_space<vmem>>[vector<16xi32>, vector<16xi32>], vector<16xf32>,
      %add3A_78 = arith.addf %add3A_73, %gather3A_76 : vector<16xf32>
      %sub3A_79 = arith.subf %add3A_78, %gather3A_77 : vector<16xf32>
      %mul3A_80 = arith.constant 5.000000e-01 : f32
      %mul3A_81 = vector.broadcast %mul3A_80 : f32 to vector<16xf32>
      %mul3A_82 = arith.mulf %mul3A_81, %sub3A_79 : vector<16xf32>
      %sub3A_83 = arith.constant 3.200000e+01 : f32
      %sub3A_84 = vector.broadcast %sub3A_83 : f32 to vector<16xf32>
      %sub3A_85 = arith.subf %mul3A_82, %sub3A_84 : vector<16xf32>
      %mul3A_86 = arith.mulf %sub3A_85, %sub3A_85 : vector<16xf32>
      %add3A_87 = arith.addf %add3A_68, %mul3A_86 : vector<16xf32>
      %parallel_loop3A_88 = arith.constant 0 : i32
      %parallel_loop3A_89 = arith.constant 128 : i32
      %parallel_loop3A_90 = arith.constant 2 : i32
      %parallel_loop3A_91:2 = scf.for %parallel_loop3A_145 = %parallel_loop3A_88 to %parallel_loop3A_89 step %parallel_loop3A_90 iter_args(%parallel_loop3A_146 = %broadcast_in_dim3A_52, %parallel_loop3A_147 = %broadcast_in_dim3A_52) -> (vector<16xf32>, vector<16xf32>)  : i32 {
        %parallel_loop3A_148 = arith.constant 0 : i32
        %parallel_loop3A_149 = vector.broadcast %parallel_loop3A_148 : i32 to vector<16xi32>
        %parallel_loop3A_150 = vector.broadcast %parallel_loop3A_145 : i32 to vector<16xi32>
        %parallel_loop3A_151 = arith.addi %parallel_loop3A_149, %parallel_loop3A_150 : vector<16xi32>
        %parallel_loop3A_152 = arith.constant 1 : i32
        %parallel_loop3A_153 = vector.broadcast %parallel_loop3A_152 : i32 to vector<16xi32>
        %parallel_loop3A_154 = arith.addi %parallel_loop3A_151, %parallel_loop3A_153 : vector<16xi32>
        %parallel_loop3A_155 = tpu.vector_load_idx %arg9[%add3A_13, %parallel_loop3A_151] : memref<80x144xf32, #tpu.memory_space<vmem>>[vector<16xi32>, vector<16xi32>], vector<16xf32>,
        %parallel_loop3A_156 = tpu.vector_load_idx %arg10[%add3A_13, %parallel_loop3A_151] : memref<80x144xf32, #tpu.memory_space<vmem>>[vector<16xi32>, vector<16xi32>], vector<16xf32>,
        %parallel_loop3A_157 = tpu.vector_load_idx %arg9[%add3A_13, %parallel_loop3A_154] : memref<80x144xf32, #tpu.memory_space<vmem>>[vector<16xi32>, vector<16xi32>], vector<16xf32>,
        %parallel_loop3A_158 = tpu.vector_load_idx %arg10[%add3A_13, %parallel_loop3A_154] : memref<80x144xf32, #tpu.memory_space<vmem>>[vector<16xi32>, vector<16xi32>], vector<16xf32>,
        %parallel_loop3A_159 = arith.mulf %parallel_loop3A_155, %parallel_loop3A_156 : vector<16xf32>
        %parallel_loop3A_160 = arith.addf %parallel_loop3A_146, %parallel_loop3A_159 : vector<16xf32>
        %parallel_loop3A_161 = arith.mulf %parallel_loop3A_157, %parallel_loop3A_158 : vector<16xf32>
        %parallel_loop3A_162 = arith.addf %parallel_loop3A_147, %parallel_loop3A_161 : vector<16xf32>
        scf.yield %parallel_loop3A_160, %parallel_loop3A_162 : vector<16xf32>, vector<16xf32>
      } {sc.loop_unroll_factor = 4 : i64, sc.parallel_access}
      %add3A_92 = arith.addf %parallel_loop3A_91#0, %parallel_loop3A_91#1 : vector<16xf32>
      %broadcast_in_dim3A_93 = arith.constant 128 : i32
      %broadcast_in_dim3A_94 = vector.broadcast %broadcast_in_dim3A_93 : i32 to vector<16xi32>
      %gather3A_95 = tpu.vector_load_idx %arg9[%add3A_13, %broadcast_in_dim3A_94] : memref<80x144xf32, #tpu.memory_space<vmem>>[vector<16xi32>, vector<16xi32>], vector<16xf32>,
      %gather3A_96 = tpu.vector_load_idx %arg10[%add3A_13, %broadcast_in_dim3A_94] : memref<80x144xf32, #tpu.memory_space<vmem>>[vector<16xi32>, vector<16xi32>], vector<16xf32>,
      %add3A_97 = arith.addf %add3A_92, %gather3A_95 : vector<16xf32>
      %sub3A_98 = arith.subf %add3A_97, %gather3A_96 : vector<16xf32>
      %mul3A_99 = arith.constant 5.000000e-01 : f32
      %mul3A_100 = vector.broadcast %mul3A_99 : f32 to vector<16xf32>
      %mul3A_101 = arith.mulf %mul3A_100, %sub3A_98 : vector<16xf32>
      %sub3A_102 = arith.constant 3.200000e+01 : f32
      %sub3A_103 = vector.broadcast %sub3A_102 : f32 to vector<16xf32>
      %sub3A_104 = arith.subf %mul3A_101, %sub3A_103 : vector<16xf32>
      %mul3A_105 = arith.mulf %sub3A_104, %sub3A_104 : vector<16xf32>
      %add3A_106 = arith.addf %add3A_87, %mul3A_105 : vector<16xf32>
      %parallel_loop3A_107 = arith.constant 0 : i32
      %parallel_loop3A_108 = arith.constant 128 : i32
      %parallel_loop3A_109 = arith.constant 2 : i32
      %parallel_loop3A_110:2 = scf.for %parallel_loop3A_145 = %parallel_loop3A_107 to %parallel_loop3A_108 step %parallel_loop3A_109 iter_args(%parallel_loop3A_146 = %broadcast_in_dim3A_52, %parallel_loop3A_147 = %broadcast_in_dim3A_52) -> (vector<16xf32>, vector<16xf32>)  : i32 {
        %parallel_loop3A_148 = arith.constant 0 : i32
        %parallel_loop3A_149 = vector.broadcast %parallel_loop3A_148 : i32 to vector<16xi32>
        %parallel_loop3A_150 = vector.broadcast %parallel_loop3A_145 : i32 to vector<16xi32>
        %parallel_loop3A_151 = arith.addi %parallel_loop3A_149, %parallel_loop3A_150 : vector<16xi32>
        %parallel_loop3A_152 = arith.constant 1 : i32
        %parallel_loop3A_153 = vector.broadcast %parallel_loop3A_152 : i32 to vector<16xi32>
        %parallel_loop3A_154 = arith.addi %parallel_loop3A_151, %parallel_loop3A_153 : vector<16xi32>
        %parallel_loop3A_155 = tpu.vector_load_idx %arg9[%add3A_17, %parallel_loop3A_151] : memref<80x144xf32, #tpu.memory_space<vmem>>[vector<16xi32>, vector<16xi32>], vector<16xf32>,
        %parallel_loop3A_156 = tpu.vector_load_idx %arg10[%add3A_17, %parallel_loop3A_151] : memref<80x144xf32, #tpu.memory_space<vmem>>[vector<16xi32>, vector<16xi32>], vector<16xf32>,
        %parallel_loop3A_157 = tpu.vector_load_idx %arg9[%add3A_17, %parallel_loop3A_154] : memref<80x144xf32, #tpu.memory_space<vmem>>[vector<16xi32>, vector<16xi32>], vector<16xf32>,
        %parallel_loop3A_158 = tpu.vector_load_idx %arg10[%add3A_17, %parallel_loop3A_154] : memref<80x144xf32, #tpu.memory_space<vmem>>[vector<16xi32>, vector<16xi32>], vector<16xf32>,
        %parallel_loop3A_159 = arith.mulf %parallel_loop3A_155, %parallel_loop3A_156 : vector<16xf32>
        %parallel_loop3A_160 = arith.addf %parallel_loop3A_146, %parallel_loop3A_159 : vector<16xf32>
        %parallel_loop3A_161 = arith.mulf %parallel_loop3A_157, %parallel_loop3A_158 : vector<16xf32>
        %parallel_loop3A_162 = arith.addf %parallel_loop3A_147, %parallel_loop3A_161 : vector<16xf32>
        scf.yield %parallel_loop3A_160, %parallel_loop3A_162 : vector<16xf32>, vector<16xf32>
      } {sc.loop_unroll_factor = 4 : i64, sc.parallel_access}
      %add3A_111 = arith.addf %parallel_loop3A_110#0, %parallel_loop3A_110#1 : vector<16xf32>
      %broadcast_in_dim3A_112 = arith.constant 128 : i32
      %broadcast_in_dim3A_113 = vector.broadcast %broadcast_in_dim3A_112 : i32 to vector<16xi32>
      %gather3A_114 = tpu.vector_load_idx %arg9[%add3A_17, %broadcast_in_dim3A_113] : memref<80x144xf32, #tpu.memory_space<vmem>>[vector<16xi32>, vector<16xi32>], vector<16xf32>,
      %gather3A_115 = tpu.vector_load_idx %arg10[%add3A_17, %broadcast_in_dim3A_113] : memref<80x144xf32, #tpu.memory_space<vmem>>[vector<16xi32>, vector<16xi32>], vector<16xf32>,
      %add3A_116 = arith.addf %add3A_111, %gather3A_114 : vector<16xf32>
      %sub3A_117 = arith.subf %add3A_116, %gather3A_115 : vector<16xf32>
      %mul3A_118 = arith.constant 5.000000e-01 : f32
      %mul3A_119 = vector.broadcast %mul3A_118 : f32 to vector<16xf32>
      %mul3A_120 = arith.mulf %mul3A_119, %sub3A_117 : vector<16xf32>
      %sub3A_121 = arith.constant 3.200000e+01 : f32
      %sub3A_122 = vector.broadcast %sub3A_121 : f32 to vector<16xf32>
      %sub3A_123 = arith.subf %mul3A_120, %sub3A_122 : vector<16xf32>
      %mul3A_124 = arith.mulf %sub3A_123, %sub3A_123 : vector<16xf32>
      %add3A_125 = arith.addf %add3A_106, %mul3A_124 : vector<16xf32>
      %parallel_loop3A_126 = arith.constant 0 : i32
      %parallel_loop3A_127 = arith.constant 128 : i32
      %parallel_loop3A_128 = arith.constant 2 : i32
      %parallel_loop3A_129:2 = scf.for %parallel_loop3A_145 = %parallel_loop3A_126 to %parallel_loop3A_127 step %parallel_loop3A_128 iter_args(%parallel_loop3A_146 = %broadcast_in_dim3A_52, %parallel_loop3A_147 = %broadcast_in_dim3A_52) -> (vector<16xf32>, vector<16xf32>)  : i32 {
        %parallel_loop3A_148 = arith.constant 0 : i32
        %parallel_loop3A_149 = vector.broadcast %parallel_loop3A_148 : i32 to vector<16xi32>
        %parallel_loop3A_150 = vector.broadcast %parallel_loop3A_145 : i32 to vector<16xi32>
        %parallel_loop3A_151 = arith.addi %parallel_loop3A_149, %parallel_loop3A_150 : vector<16xi32>
        %parallel_loop3A_152 = arith.constant 1 : i32
        %parallel_loop3A_153 = vector.broadcast %parallel_loop3A_152 : i32 to vector<16xi32>
        %parallel_loop3A_154 = arith.addi %parallel_loop3A_151, %parallel_loop3A_153 : vector<16xi32>
        %parallel_loop3A_155 = tpu.vector_load_idx %arg9[%add3A_21, %parallel_loop3A_151] : memref<80x144xf32, #tpu.memory_space<vmem>>[vector<16xi32>, vector<16xi32>], vector<16xf32>,
        %parallel_loop3A_156 = tpu.vector_load_idx %arg10[%add3A_21, %parallel_loop3A_151] : memref<80x144xf32, #tpu.memory_space<vmem>>[vector<16xi32>, vector<16xi32>], vector<16xf32>,
        %parallel_loop3A_157 = tpu.vector_load_idx %arg9[%add3A_21, %parallel_loop3A_154] : memref<80x144xf32, #tpu.memory_space<vmem>>[vector<16xi32>, vector<16xi32>], vector<16xf32>,
        %parallel_loop3A_158 = tpu.vector_load_idx %arg10[%add3A_21, %parallel_loop3A_154] : memref<80x144xf32, #tpu.memory_space<vmem>>[vector<16xi32>, vector<16xi32>], vector<16xf32>,
        %parallel_loop3A_159 = arith.mulf %parallel_loop3A_155, %parallel_loop3A_156 : vector<16xf32>
        %parallel_loop3A_160 = arith.addf %parallel_loop3A_146, %parallel_loop3A_159 : vector<16xf32>
        %parallel_loop3A_161 = arith.mulf %parallel_loop3A_157, %parallel_loop3A_158 : vector<16xf32>
        %parallel_loop3A_162 = arith.addf %parallel_loop3A_147, %parallel_loop3A_161 : vector<16xf32>
        scf.yield %parallel_loop3A_160, %parallel_loop3A_162 : vector<16xf32>, vector<16xf32>
      } {sc.loop_unroll_factor = 4 : i64, sc.parallel_access}
      %add3A_130 = arith.addf %parallel_loop3A_129#0, %parallel_loop3A_129#1 : vector<16xf32>
      %broadcast_in_dim3A_131 = arith.constant 128 : i32
      %broadcast_in_dim3A_132 = vector.broadcast %broadcast_in_dim3A_131 : i32 to vector<16xi32>
      %gather3A_133 = tpu.vector_load_idx %arg9[%add3A_21, %broadcast_in_dim3A_132] : memref<80x144xf32, #tpu.memory_space<vmem>>[vector<16xi32>, vector<16xi32>], vector<16xf32>,
      %gather3A_134 = tpu.vector_load_idx %arg10[%add3A_21, %broadcast_in_dim3A_132] : memref<80x144xf32, #tpu.memory_space<vmem>>[vector<16xi32>, vector<16xi32>], vector<16xf32>,
      %add3A_135 = arith.addf %add3A_130, %gather3A_133 : vector<16xf32>
      %sub3A_136 = arith.subf %add3A_135, %gather3A_134 : vector<16xf32>
      %mul3A_137 = arith.constant 5.000000e-01 : f32
      %mul3A_138 = vector.broadcast %mul3A_137 : f32 to vector<16xf32>
      %mul3A_139 = arith.mulf %mul3A_138, %sub3A_136 : vector<16xf32>
      %sub3A_140 = arith.constant 3.200000e+01 : f32
      %sub3A_141 = vector.broadcast %sub3A_140 : f32 to vector<16xf32>
      %sub3A_142 = arith.subf %mul3A_139, %sub3A_141 : vector<16xf32>
      %mul3A_143 = arith.mulf %sub3A_142, %sub3A_142 : vector<16xf32>
      %add3A_144 = arith.addf %add3A_125, %mul3A_143 : vector<16xf32>
      scf.yield %add3A_144 : vector<16xf32>
    }
    %scan3A_27 = arith.constant 125 : i32
    %scan3A_28 = arith.constant 0 : i32
    %scan3A_29 = arith.constant 125 : i32
    %scan3A_30 = arith.addi %scan3A_28, %scan3A_29 : i32
    %scan3A_31 = arith.constant 1 : i32
    %scan3A_32 = scf.for %scan3A_35 = %scan3A_28 to %scan3A_30 step %scan3A_31 iter_args(%scan3A_36 = %scan3A_26) -> (vector<16xf32>)  : i32 {
      %mul3A_37 = arith.constant 80 : i32
      %mul3A_38 = arith.muli %scan3A_35, %mul3A_37 : i32
      %add3A_39 = arith.addi %mul3A_2, %mul3A_38 : i32
      %run_scoped3A = arith.constant 0 : i32
      "tpu.region"() ({
        %run_scoped3A_158 = tpu.sem_alloc : memref<!tpu.dma_semaphore, #tpu.memory_space<semaphore_mem>>
        %dma_start3A_159 = tpu.memref_slice %arg5[%run_scoped3A, %add3A_39] : memref<2x320000xi32, #tpu.memory_space<hbm>> -> memref<1x80xi32, #tpu.memory_space<hbm>>
        %dma_start3A_160 = tpu.memref_squeeze %dma_start3A_159 : memref<1x80xi32, #tpu.memory_space<hbm>> -> memref<80xi32, #tpu.memory_space<hbm>>
        %dma_start3A_161 = tpu.memref_slice %arg5[%run_scoped3A, %add3A_39] : memref<2x320000xi32, #tpu.memory_space<hbm>> -> memref<1x80xi32, #tpu.memory_space<hbm>>
        %dma_start3A_162 = tpu.memref_squeeze %dma_start3A_161 : memref<1x80xi32, #tpu.memory_space<hbm>> -> memref<80xi32, #tpu.memory_space<hbm>>
        tpu.enqueue_dma source(%dma_start3A_162 : memref<80xi32, #tpu.memory_space<hbm>>) target(%arg7 : memref<80xi32, #tpu.memory_space<vmem>>) target_semaphore(%run_scoped3A_158 : memref<!tpu.dma_semaphore, #tpu.memory_space<semaphore_mem>>)
        %dma_wait3A_163 = tpu.memref_slice %arg5[%run_scoped3A, %add3A_39] : memref<2x320000xi32, #tpu.memory_space<hbm>> -> memref<1x80xi32, #tpu.memory_space<hbm>>
        %dma_wait3A_164 = tpu.memref_squeeze %dma_wait3A_163 : memref<1x80xi32, #tpu.memory_space<hbm>> -> memref<80xi32, #tpu.memory_space<hbm>>
        %dma_wait3A_165 = tpu.memref_slice %arg5[%run_scoped3A, %add3A_39] : memref<2x320000xi32, #tpu.memory_space<hbm>> -> memref<1x80xi32, #tpu.memory_space<hbm>>
        %dma_wait3A_166 = tpu.memref_squeeze %dma_wait3A_165 : memref<1x80xi32, #tpu.memory_space<hbm>> -> memref<80xi32, #tpu.memory_space<hbm>>
        tpu.wait_dma2 semaphore(%run_scoped3A_158 : memref<!tpu.dma_semaphore, #tpu.memory_space<semaphore_mem>>) src(%dma_wait3A_166 : memref<80xi32, #tpu.memory_space<hbm>>) dst(%arg7 : memref<80xi32, #tpu.memory_space<vmem>>)
        tpu.yield
      }) : () -> ()
      %run_scoped3A_40 = arith.constant 1 : i32
      "tpu.region"() ({
        %run_scoped3A_158 = tpu.sem_alloc : memref<!tpu.dma_semaphore, #tpu.memory_space<semaphore_mem>>
        %dma_start3A_159 = tpu.memref_slice %arg5[%run_scoped3A_40, %add3A_39] : memref<2x320000xi32, #tpu.memory_space<hbm>> -> memref<1x80xi32, #tpu.memory_space<hbm>>
        %dma_start3A_160 = tpu.memref_squeeze %dma_start3A_159 : memref<1x80xi32, #tpu.memory_space<hbm>> -> memref<80xi32, #tpu.memory_space<hbm>>
        %dma_start3A_161 = tpu.memref_slice %arg5[%run_scoped3A_40, %add3A_39] : memref<2x320000xi32, #tpu.memory_space<hbm>> -> memref<1x80xi32, #tpu.memory_space<hbm>>
        %dma_start3A_162 = tpu.memref_squeeze %dma_start3A_161 : memref<1x80xi32, #tpu.memory_space<hbm>> -> memref<80xi32, #tpu.memory_space<hbm>>
        tpu.enqueue_dma source(%dma_start3A_162 : memref<80xi32, #tpu.memory_space<hbm>>) target(%arg8 : memref<80xi32, #tpu.memory_space<vmem>>) target_semaphore(%run_scoped3A_158 : memref<!tpu.dma_semaphore, #tpu.memory_space<semaphore_mem>>)
        %dma_wait3A_163 = tpu.memref_slice %arg5[%run_scoped3A_40, %add3A_39] : memref<2x320000xi32, #tpu.memory_space<hbm>> -> memref<1x80xi32, #tpu.memory_space<hbm>>
        %dma_wait3A_164 = tpu.memref_squeeze %dma_wait3A_163 : memref<1x80xi32, #tpu.memory_space<hbm>> -> memref<80xi32, #tpu.memory_space<hbm>>
        %dma_wait3A_165 = tpu.memref_slice %arg5[%run_scoped3A_40, %add3A_39] : memref<2x320000xi32, #tpu.memory_space<hbm>> -> memref<1x80xi32, #tpu.memory_space<hbm>>
        %dma_wait3A_166 = tpu.memref_squeeze %dma_wait3A_165 : memref<1x80xi32, #tpu.memory_space<hbm>> -> memref<80xi32, #tpu.memory_space<hbm>>
        tpu.wait_dma2 semaphore(%run_scoped3A_158 : memref<!tpu.dma_semaphore, #tpu.memory_space<semaphore_mem>>) src(%dma_wait3A_166 : memref<80xi32, #tpu.memory_space<hbm>>) dst(%arg8 : memref<80xi32, #tpu.memory_space<vmem>>)
        tpu.yield
      }) : () -> ()
      %dma_start3A = arith.constant 0 : i32
      %dma_start3A_41 = arith.constant 0 : i32
      %dma_start3A_42 = tpu.memref_slice %arg2[%dma_start3A, %dma_start3A_41] : memref<10000x144xf32, #tpu.memory_space<hbm>> -> memref<10000x144xf32, #tpu.memory_space<hbm>>
      tpu.enqueue_indirect_dma source(%dma_start3A_42 : memref<10000x144xf32, #tpu.memory_space<hbm>>) target(%arg9 : memref<80x144xf32, #tpu.memory_space<vmem>>) offsets(%arg7 : memref<80xi32, #tpu.memory_space<vmem>>) semaphore(%arg12 : memref<!tpu.dma_semaphore, #tpu.memory_space<semaphore_mem>>)
      %dma_start3A_43 = arith.constant 0 : i32
      %dma_start3A_44 = arith.constant 0 : i32
      %dma_start3A_45 = tpu.memref_slice %arg3[%dma_start3A_43, %dma_start3A_44] : memref<10000x144xf32, #tpu.memory_space<hbm>> -> memref<10000x144xf32, #tpu.memory_space<hbm>>
      tpu.enqueue_indirect_dma source(%dma_start3A_45 : memref<10000x144xf32, #tpu.memory_space<hbm>>) target(%arg10 : memref<80x144xf32, #tpu.memory_space<vmem>>) offsets(%arg8 : memref<80xi32, #tpu.memory_space<vmem>>) semaphore(%arg12 : memref<!tpu.dma_semaphore, #tpu.memory_space<semaphore_mem>>)
      %dma_wait3A = arith.constant 0 : i32
      %dma_wait3A_46 = arith.constant 0 : i32
      %dma_wait3A_47 = tpu.memref_slice %arg2[%dma_wait3A, %dma_wait3A_46] : memref<10000x144xf32, #tpu.memory_space<hbm>> -> memref<10000x144xf32, #tpu.memory_space<hbm>>
      tpu.wait_indirect_dma semaphore(%arg12 : memref<!tpu.dma_semaphore, #tpu.memory_space<semaphore_mem>>) src(%dma_wait3A_47 : memref<10000x144xf32, #tpu.memory_space<hbm>>) dst(%arg9 : memref<80x144xf32, #tpu.memory_space<vmem>>)
      %dma_wait3A_48 = arith.constant 0 : i32
      %dma_wait3A_49 = arith.constant 0 : i32
      %dma_wait3A_50 = tpu.memref_slice %arg3[%dma_wait3A_48, %dma_wait3A_49] : memref<10000x144xf32, #tpu.memory_space<hbm>> -> memref<10000x144xf32, #tpu.memory_space<hbm>>
      tpu.wait_indirect_dma semaphore(%arg12 : memref<!tpu.dma_semaphore, #tpu.memory_space<semaphore_mem>>) src(%dma_wait3A_50 : memref<10000x144xf32, #tpu.memory_space<hbm>>) dst(%arg10 : memref<80x144xf32, #tpu.memory_space<vmem>>)
      %broadcast_in_dim3A_51 = arith.constant 0.000000e+00 : f32
      %broadcast_in_dim3A_52 = vector.broadcast %broadcast_in_dim3A_51 : f32 to vector<16xf32>
      %parallel_loop3A = arith.constant 0 : i32
      %parallel_loop3A_53 = arith.constant 128 : i32
      %parallel_loop3A_54 = arith.constant 2 : i32
      %parallel_loop3A_55:2 = scf.for %parallel_loop3A_158 = %parallel_loop3A to %parallel_loop3A_53 step %parallel_loop3A_54 iter_args(%parallel_loop3A_159 = %broadcast_in_dim3A_52, %parallel_loop3A_160 = %broadcast_in_dim3A_52) -> (vector<16xf32>, vector<16xf32>)  : i32 {
        %parallel_loop3A_161 = arith.constant 0 : i32
        %parallel_loop3A_162 = vector.broadcast %parallel_loop3A_161 : i32 to vector<16xi32>
        %parallel_loop3A_163 = vector.broadcast %parallel_loop3A_158 : i32 to vector<16xi32>
        %parallel_loop3A_164 = arith.addi %parallel_loop3A_162, %parallel_loop3A_163 : vector<16xi32>
        %parallel_loop3A_165 = arith.constant 1 : i32
        %parallel_loop3A_166 = vector.broadcast %parallel_loop3A_165 : i32 to vector<16xi32>
        %parallel_loop3A_167 = arith.addi %parallel_loop3A_164, %parallel_loop3A_166 : vector<16xi32>
        %parallel_loop3A_168 = tpu.vector_load_idx %arg9[%add3A_5, %parallel_loop3A_164] : memref<80x144xf32, #tpu.memory_space<vmem>>[vector<16xi32>, vector<16xi32>], vector<16xf32>,
        %parallel_loop3A_169 = tpu.vector_load_idx %arg10[%add3A_5, %parallel_loop3A_164] : memref<80x144xf32, #tpu.memory_space<vmem>>[vector<16xi32>, vector<16xi32>], vector<16xf32>,
        %parallel_loop3A_170 = tpu.vector_load_idx %arg9[%add3A_5, %parallel_loop3A_167] : memref<80x144xf32, #tpu.memory_space<vmem>>[vector<16xi32>, vector<16xi32>], vector<16xf32>,
        %parallel_loop3A_171 = tpu.vector_load_idx %arg10[%add3A_5, %parallel_loop3A_167] : memref<80x144xf32, #tpu.memory_space<vmem>>[vector<16xi32>, vector<16xi32>], vector<16xf32>,
        %parallel_loop3A_172 = arith.mulf %parallel_loop3A_168, %parallel_loop3A_169 : vector<16xf32>
        %parallel_loop3A_173 = arith.addf %parallel_loop3A_159, %parallel_loop3A_172 : vector<16xf32>
        %parallel_loop3A_174 = arith.mulf %parallel_loop3A_170, %parallel_loop3A_171 : vector<16xf32>
        %parallel_loop3A_175 = arith.addf %parallel_loop3A_160, %parallel_loop3A_174 : vector<16xf32>
        scf.yield %parallel_loop3A_173, %parallel_loop3A_175 : vector<16xf32>, vector<16xf32>
      } {sc.loop_unroll_factor = 4 : i64, sc.parallel_access}
      %add3A_56 = arith.addf %parallel_loop3A_55#0, %parallel_loop3A_55#1 : vector<16xf32>
      %broadcast_in_dim3A_57 = arith.constant 128 : i32
      %broadcast_in_dim3A_58 = vector.broadcast %broadcast_in_dim3A_57 : i32 to vector<16xi32>
      %gather3A = tpu.vector_load_idx %arg9[%add3A_5, %broadcast_in_dim3A_58] : memref<80x144xf32, #tpu.memory_space<vmem>>[vector<16xi32>, vector<16xi32>], vector<16xf32>,
      %gather3A_59 = tpu.vector_load_idx %arg10[%add3A_5, %broadcast_in_dim3A_58] : memref<80x144xf32, #tpu.memory_space<vmem>>[vector<16xi32>, vector<16xi32>], vector<16xf32>,
      %add3A_60 = arith.addf %add3A_56, %gather3A : vector<16xf32>
      %sub3A = arith.subf %add3A_60, %gather3A_59 : vector<16xf32>
      %mul3A_61 = arith.constant 5.000000e-01 : f32
      %mul3A_62 = vector.broadcast %mul3A_61 : f32 to vector<16xf32>
      %mul3A_63 = arith.mulf %mul3A_62, %sub3A : vector<16xf32>
      %sub3A_64 = arith.constant 3.200000e+01 : f32
      %sub3A_65 = vector.broadcast %sub3A_64 : f32 to vector<16xf32>
      %sub3A_66 = arith.subf %mul3A_63, %sub3A_65 : vector<16xf32>
      %neg3A = arith.constant 0.000000e+00 : f32
      %neg3A_67 = vector.broadcast %neg3A : f32 to vector<16xf32>
      %neg3A_68 = arith.subf %neg3A_67, %sub3A_66 : vector<16xf32>
      %exp3A = math.exp %neg3A_68 : vector<16xf32>
      %add3A_69 = arith.addf %scan3A_36, %exp3A : vector<16xf32>
      %parallel_loop3A_70 = arith.constant 0 : i32
      %parallel_loop3A_71 = arith.constant 128 : i32
      %parallel_loop3A_72 = arith.constant 2 : i32
      %parallel_loop3A_73:2 = scf.for %parallel_loop3A_158 = %parallel_loop3A_70 to %parallel_loop3A_71 step %parallel_loop3A_72 iter_args(%parallel_loop3A_159 = %broadcast_in_dim3A_52, %parallel_loop3A_160 = %broadcast_in_dim3A_52) -> (vector<16xf32>, vector<16xf32>)  : i32 {
        %parallel_loop3A_161 = arith.constant 0 : i32
        %parallel_loop3A_162 = vector.broadcast %parallel_loop3A_161 : i32 to vector<16xi32>
        %parallel_loop3A_163 = vector.broadcast %parallel_loop3A_158 : i32 to vector<16xi32>
        %parallel_loop3A_164 = arith.addi %parallel_loop3A_162, %parallel_loop3A_163 : vector<16xi32>
        %parallel_loop3A_165 = arith.constant 1 : i32
        %parallel_loop3A_166 = vector.broadcast %parallel_loop3A_165 : i32 to vector<16xi32>
        %parallel_loop3A_167 = arith.addi %parallel_loop3A_164, %parallel_loop3A_166 : vector<16xi32>
        %parallel_loop3A_168 = tpu.vector_load_idx %arg9[%add3A_9, %parallel_loop3A_164] : memref<80x144xf32, #tpu.memory_space<vmem>>[vector<16xi32>, vector<16xi32>], vector<16xf32>,
        %parallel_loop3A_169 = tpu.vector_load_idx %arg10[%add3A_9, %parallel_loop3A_164] : memref<80x144xf32, #tpu.memory_space<vmem>>[vector<16xi32>, vector<16xi32>], vector<16xf32>,
        %parallel_loop3A_170 = tpu.vector_load_idx %arg9[%add3A_9, %parallel_loop3A_167] : memref<80x144xf32, #tpu.memory_space<vmem>>[vector<16xi32>, vector<16xi32>], vector<16xf32>,
        %parallel_loop3A_171 = tpu.vector_load_idx %arg10[%add3A_9, %parallel_loop3A_167] : memref<80x144xf32, #tpu.memory_space<vmem>>[vector<16xi32>, vector<16xi32>], vector<16xf32>,
        %parallel_loop3A_172 = arith.mulf %parallel_loop3A_168, %parallel_loop3A_169 : vector<16xf32>
        %parallel_loop3A_173 = arith.addf %parallel_loop3A_159, %parallel_loop3A_172 : vector<16xf32>
        %parallel_loop3A_174 = arith.mulf %parallel_loop3A_170, %parallel_loop3A_171 : vector<16xf32>
        %parallel_loop3A_175 = arith.addf %parallel_loop3A_160, %parallel_loop3A_174 : vector<16xf32>
        scf.yield %parallel_loop3A_173, %parallel_loop3A_175 : vector<16xf32>, vector<16xf32>
      } {sc.loop_unroll_factor = 4 : i64, sc.parallel_access}
      %add3A_74 = arith.addf %parallel_loop3A_73#0, %parallel_loop3A_73#1 : vector<16xf32>
      %broadcast_in_dim3A_75 = arith.constant 128 : i32
      %broadcast_in_dim3A_76 = vector.broadcast %broadcast_in_dim3A_75 : i32 to vector<16xi32>
      %gather3A_77 = tpu.vector_load_idx %arg9[%add3A_9, %broadcast_in_dim3A_76] : memref<80x144xf32, #tpu.memory_space<vmem>>[vector<16xi32>, vector<16xi32>], vector<16xf32>,
      %gather3A_78 = tpu.vector_load_idx %arg10[%add3A_9, %broadcast_in_dim3A_76] : memref<80x144xf32, #tpu.memory_space<vmem>>[vector<16xi32>, vector<16xi32>], vector<16xf32>,
      %add3A_79 = arith.addf %add3A_74, %gather3A_77 : vector<16xf32>
      %sub3A_80 = arith.subf %add3A_79, %gather3A_78 : vector<16xf32>
      %mul3A_81 = arith.constant 5.000000e-01 : f32
      %mul3A_82 = vector.broadcast %mul3A_81 : f32 to vector<16xf32>
      %mul3A_83 = arith.mulf %mul3A_82, %sub3A_80 : vector<16xf32>
      %sub3A_84 = arith.constant 3.200000e+01 : f32
      %sub3A_85 = vector.broadcast %sub3A_84 : f32 to vector<16xf32>
      %sub3A_86 = arith.subf %mul3A_83, %sub3A_85 : vector<16xf32>
      %neg3A_87 = arith.constant 0.000000e+00 : f32
      %neg3A_88 = vector.broadcast %neg3A_87 : f32 to vector<16xf32>
      %neg3A_89 = arith.subf %neg3A_88, %sub3A_86 : vector<16xf32>
      %exp3A_90 = math.exp %neg3A_89 : vector<16xf32>
      %add3A_91 = arith.addf %add3A_69, %exp3A_90 : vector<16xf32>
      %parallel_loop3A_92 = arith.constant 0 : i32
      %parallel_loop3A_93 = arith.constant 128 : i32
      %parallel_loop3A_94 = arith.constant 2 : i32
      %parallel_loop3A_95:2 = scf.for %parallel_loop3A_158 = %parallel_loop3A_92 to %parallel_loop3A_93 step %parallel_loop3A_94 iter_args(%parallel_loop3A_159 = %broadcast_in_dim3A_52, %parallel_loop3A_160 = %broadcast_in_dim3A_52) -> (vector<16xf32>, vector<16xf32>)  : i32 {
        %parallel_loop3A_161 = arith.constant 0 : i32
        %parallel_loop3A_162 = vector.broadcast %parallel_loop3A_161 : i32 to vector<16xi32>
        %parallel_loop3A_163 = vector.broadcast %parallel_loop3A_158 : i32 to vector<16xi32>
        %parallel_loop3A_164 = arith.addi %parallel_loop3A_162, %parallel_loop3A_163 : vector<16xi32>
        %parallel_loop3A_165 = arith.constant 1 : i32
        %parallel_loop3A_166 = vector.broadcast %parallel_loop3A_165 : i32 to vector<16xi32>
        %parallel_loop3A_167 = arith.addi %parallel_loop3A_164, %parallel_loop3A_166 : vector<16xi32>
        %parallel_loop3A_168 = tpu.vector_load_idx %arg9[%add3A_13, %parallel_loop3A_164] : memref<80x144xf32, #tpu.memory_space<vmem>>[vector<16xi32>, vector<16xi32>], vector<16xf32>,
        %parallel_loop3A_169 = tpu.vector_load_idx %arg10[%add3A_13, %parallel_loop3A_164] : memref<80x144xf32, #tpu.memory_space<vmem>>[vector<16xi32>, vector<16xi32>], vector<16xf32>,
        %parallel_loop3A_170 = tpu.vector_load_idx %arg9[%add3A_13, %parallel_loop3A_167] : memref<80x144xf32, #tpu.memory_space<vmem>>[vector<16xi32>, vector<16xi32>], vector<16xf32>,
        %parallel_loop3A_171 = tpu.vector_load_idx %arg10[%add3A_13, %parallel_loop3A_167] : memref<80x144xf32, #tpu.memory_space<vmem>>[vector<16xi32>, vector<16xi32>], vector<16xf32>,
        %parallel_loop3A_172 = arith.mulf %parallel_loop3A_168, %parallel_loop3A_169 : vector<16xf32>
        %parallel_loop3A_173 = arith.addf %parallel_loop3A_159, %parallel_loop3A_172 : vector<16xf32>
        %parallel_loop3A_174 = arith.mulf %parallel_loop3A_170, %parallel_loop3A_171 : vector<16xf32>
        %parallel_loop3A_175 = arith.addf %parallel_loop3A_160, %parallel_loop3A_174 : vector<16xf32>
        scf.yield %parallel_loop3A_173, %parallel_loop3A_175 : vector<16xf32>, vector<16xf32>
      } {sc.loop_unroll_factor = 4 : i64, sc.parallel_access}
      %add3A_96 = arith.addf %parallel_loop3A_95#0, %parallel_loop3A_95#1 : vector<16xf32>
      %broadcast_in_dim3A_97 = arith.constant 128 : i32
      %broadcast_in_dim3A_98 = vector.broadcast %broadcast_in_dim3A_97 : i32 to vector<16xi32>
      %gather3A_99 = tpu.vector_load_idx %arg9[%add3A_13, %broadcast_in_dim3A_98] : memref<80x144xf32, #tpu.memory_space<vmem>>[vector<16xi32>, vector<16xi32>], vector<16xf32>,
      %gather3A_100 = tpu.vector_load_idx %arg10[%add3A_13, %broadcast_in_dim3A_98] : memref<80x144xf32, #tpu.memory_space<vmem>>[vector<16xi32>, vector<16xi32>], vector<16xf32>,
      %add3A_101 = arith.addf %add3A_96, %gather3A_99 : vector<16xf32>
      %sub3A_102 = arith.subf %add3A_101, %gather3A_100 : vector<16xf32>
      %mul3A_103 = arith.constant 5.000000e-01 : f32
      %mul3A_104 = vector.broadcast %mul3A_103 : f32 to vector<16xf32>
      %mul3A_105 = arith.mulf %mul3A_104, %sub3A_102 : vector<16xf32>
      %sub3A_106 = arith.constant 3.200000e+01 : f32
      %sub3A_107 = vector.broadcast %sub3A_106 : f32 to vector<16xf32>
      %sub3A_108 = arith.subf %mul3A_105, %sub3A_107 : vector<16xf32>
      %neg3A_109 = arith.constant 0.000000e+00 : f32
      %neg3A_110 = vector.broadcast %neg3A_109 : f32 to vector<16xf32>
      %neg3A_111 = arith.subf %neg3A_110, %sub3A_108 : vector<16xf32>
      %exp3A_112 = math.exp %neg3A_111 : vector<16xf32>
      %add3A_113 = arith.addf %add3A_91, %exp3A_112 : vector<16xf32>
      %parallel_loop3A_114 = arith.constant 0 : i32
      %parallel_loop3A_115 = arith.constant 128 : i32
      %parallel_loop3A_116 = arith.constant 2 : i32
      %parallel_loop3A_117:2 = scf.for %parallel_loop3A_158 = %parallel_loop3A_114 to %parallel_loop3A_115 step %parallel_loop3A_116 iter_args(%parallel_loop3A_159 = %broadcast_in_dim3A_52, %parallel_loop3A_160 = %broadcast_in_dim3A_52) -> (vector<16xf32>, vector<16xf32>)  : i32 {
        %parallel_loop3A_161 = arith.constant 0 : i32
        %parallel_loop3A_162 = vector.broadcast %parallel_loop3A_161 : i32 to vector<16xi32>
        %parallel_loop3A_163 = vector.broadcast %parallel_loop3A_158 : i32 to vector<16xi32>
        %parallel_loop3A_164 = arith.addi %parallel_loop3A_162, %parallel_loop3A_163 : vector<16xi32>
        %parallel_loop3A_165 = arith.constant 1 : i32
        %parallel_loop3A_166 = vector.broadcast %parallel_loop3A_165 : i32 to vector<16xi32>
        %parallel_loop3A_167 = arith.addi %parallel_loop3A_164, %parallel_loop3A_166 : vector<16xi32>
        %parallel_loop3A_168 = tpu.vector_load_idx %arg9[%add3A_17, %parallel_loop3A_164] : memref<80x144xf32, #tpu.memory_space<vmem>>[vector<16xi32>, vector<16xi32>], vector<16xf32>,
        %parallel_loop3A_169 = tpu.vector_load_idx %arg10[%add3A_17, %parallel_loop3A_164] : memref<80x144xf32, #tpu.memory_space<vmem>>[vector<16xi32>, vector<16xi32>], vector<16xf32>,
        %parallel_loop3A_170 = tpu.vector_load_idx %arg9[%add3A_17, %parallel_loop3A_167] : memref<80x144xf32, #tpu.memory_space<vmem>>[vector<16xi32>, vector<16xi32>], vector<16xf32>,
        %parallel_loop3A_171 = tpu.vector_load_idx %arg10[%add3A_17, %parallel_loop3A_167] : memref<80x144xf32, #tpu.memory_space<vmem>>[vector<16xi32>, vector<16xi32>], vector<16xf32>,
        %parallel_loop3A_172 = arith.mulf %parallel_loop3A_168, %parallel_loop3A_169 : vector<16xf32>
        %parallel_loop3A_173 = arith.addf %parallel_loop3A_159, %parallel_loop3A_172 : vector<16xf32>
        %parallel_loop3A_174 = arith.mulf %parallel_loop3A_170, %parallel_loop3A_171 : vector<16xf32>
        %parallel_loop3A_175 = arith.addf %parallel_loop3A_160, %parallel_loop3A_174 : vector<16xf32>
        scf.yield %parallel_loop3A_173, %parallel_loop3A_175 : vector<16xf32>, vector<16xf32>
      } {sc.loop_unroll_factor = 4 : i64, sc.parallel_access}
      %add3A_118 = arith.addf %parallel_loop3A_117#0, %parallel_loop3A_117#1 : vector<16xf32>
      %broadcast_in_dim3A_119 = arith.constant 128 : i32
      %broadcast_in_dim3A_120 = vector.broadcast %broadcast_in_dim3A_119 : i32 to vector<16xi32>
      %gather3A_121 = tpu.vector_load_idx %arg9[%add3A_17, %broadcast_in_dim3A_120] : memref<80x144xf32, #tpu.memory_space<vmem>>[vector<16xi32>, vector<16xi32>], vector<16xf32>,
      %gather3A_122 = tpu.vector_load_idx %arg10[%add3A_17, %broadcast_in_dim3A_120] : memref<80x144xf32, #tpu.memory_space<vmem>>[vector<16xi32>, vector<16xi32>], vector<16xf32>,
      %add3A_123 = arith.addf %add3A_118, %gather3A_121 : vector<16xf32>
      %sub3A_124 = arith.subf %add3A_123, %gather3A_122 : vector<16xf32>
      %mul3A_125 = arith.constant 5.000000e-01 : f32
      %mul3A_126 = vector.broadcast %mul3A_125 : f32 to vector<16xf32>
      %mul3A_127 = arith.mulf %mul3A_126, %sub3A_124 : vector<16xf32>
      %sub3A_128 = arith.constant 3.200000e+01 : f32
      %sub3A_129 = vector.broadcast %sub3A_128 : f32 to vector<16xf32>
      %sub3A_130 = arith.subf %mul3A_127, %sub3A_129 : vector<16xf32>
      %neg3A_131 = arith.constant 0.000000e+00 : f32
      %neg3A_132 = vector.broadcast %neg3A_131 : f32 to vector<16xf32>
      %neg3A_133 = arith.subf %neg3A_132, %sub3A_130 : vector<16xf32>
      %exp3A_134 = math.exp %neg3A_133 : vector<16xf32>
      %add3A_135 = arith.addf %add3A_113, %exp3A_134 : vector<16xf32>
      %parallel_loop3A_136 = arith.constant 0 : i32
      %parallel_loop3A_137 = arith.constant 128 : i32
      %parallel_loop3A_138 = arith.constant 2 : i32
      %parallel_loop3A_139:2 = scf.for %parallel_loop3A_158 = %parallel_loop3A_136 to %parallel_loop3A_137 step %parallel_loop3A_138 iter_args(%parallel_loop3A_159 = %broadcast_in_dim3A_52, %parallel_loop3A_160 = %broadcast_in_dim3A_52) -> (vector<16xf32>, vector<16xf32>)  : i32 {
        %parallel_loop3A_161 = arith.constant 0 : i32
        %parallel_loop3A_162 = vector.broadcast %parallel_loop3A_161 : i32 to vector<16xi32>
        %parallel_loop3A_163 = vector.broadcast %parallel_loop3A_158 : i32 to vector<16xi32>
        %parallel_loop3A_164 = arith.addi %parallel_loop3A_162, %parallel_loop3A_163 : vector<16xi32>
        %parallel_loop3A_165 = arith.constant 1 : i32
        %parallel_loop3A_166 = vector.broadcast %parallel_loop3A_165 : i32 to vector<16xi32>
        %parallel_loop3A_167 = arith.addi %parallel_loop3A_164, %parallel_loop3A_166 : vector<16xi32>
        %parallel_loop3A_168 = tpu.vector_load_idx %arg9[%add3A_21, %parallel_loop3A_164] : memref<80x144xf32, #tpu.memory_space<vmem>>[vector<16xi32>, vector<16xi32>], vector<16xf32>,
        %parallel_loop3A_169 = tpu.vector_load_idx %arg10[%add3A_21, %parallel_loop3A_164] : memref<80x144xf32, #tpu.memory_space<vmem>>[vector<16xi32>, vector<16xi32>], vector<16xf32>,
        %parallel_loop3A_170 = tpu.vector_load_idx %arg9[%add3A_21, %parallel_loop3A_167] : memref<80x144xf32, #tpu.memory_space<vmem>>[vector<16xi32>, vector<16xi32>], vector<16xf32>,
        %parallel_loop3A_171 = tpu.vector_load_idx %arg10[%add3A_21, %parallel_loop3A_167] : memref<80x144xf32, #tpu.memory_space<vmem>>[vector<16xi32>, vector<16xi32>], vector<16xf32>,
        %parallel_loop3A_172 = arith.mulf %parallel_loop3A_168, %parallel_loop3A_169 : vector<16xf32>
        %parallel_loop3A_173 = arith.addf %parallel_loop3A_159, %parallel_loop3A_172 : vector<16xf32>
        %parallel_loop3A_174 = arith.mulf %parallel_loop3A_170, %parallel_loop3A_171 : vector<16xf32>
        %parallel_loop3A_175 = arith.addf %parallel_loop3A_160, %parallel_loop3A_174 : vector<16xf32>
        scf.yield %parallel_loop3A_173, %parallel_loop3A_175 : vector<16xf32>, vector<16xf32>
      } {sc.loop_unroll_factor = 4 : i64, sc.parallel_access}
      %add3A_140 = arith.addf %parallel_loop3A_139#0, %parallel_loop3A_139#1 : vector<16xf32>
      %broadcast_in_dim3A_141 = arith.constant 128 : i32
      %broadcast_in_dim3A_142 = vector.broadcast %broadcast_in_dim3A_141 : i32 to vector<16xi32>
      %gather3A_143 = tpu.vector_load_idx %arg9[%add3A_21, %broadcast_in_dim3A_142] : memref<80x144xf32, #tpu.memory_space<vmem>>[vector<16xi32>, vector<16xi32>], vector<16xf32>,
      %gather3A_144 = tpu.vector_load_idx %arg10[%add3A_21, %broadcast_in_dim3A_142] : memref<80x144xf32, #tpu.memory_space<vmem>>[vector<16xi32>, vector<16xi32>], vector<16xf32>,
      %add3A_145 = arith.addf %add3A_140, %gather3A_143 : vector<16xf32>
      %sub3A_146 = arith.subf %add3A_145, %gather3A_144 : vector<16xf32>
      %mul3A_147 = arith.constant 5.000000e-01 : f32
      %mul3A_148 = vector.broadcast %mul3A_147 : f32 to vector<16xf32>
      %mul3A_149 = arith.mulf %mul3A_148, %sub3A_146 : vector<16xf32>
      %sub3A_150 = arith.constant 3.200000e+01 : f32
      %sub3A_151 = vector.broadcast %sub3A_150 : f32 to vector<16xf32>
      %sub3A_152 = arith.subf %mul3A_149, %sub3A_151 : vector<16xf32>
      %neg3A_153 = arith.constant 0.000000e+00 : f32
      %neg3A_154 = vector.broadcast %neg3A_153 : f32 to vector<16xf32>
      %neg3A_155 = arith.subf %neg3A_154, %sub3A_152 : vector<16xf32>
      %exp3A_156 = math.exp %neg3A_155 : vector<16xf32>
      %add3A_157 = arith.addf %add3A_135, %exp3A_156 : vector<16xf32>
      scf.yield %add3A_157 : vector<16xf32>
    }
    %scan3A_33 = arith.constant 125 : i32
    %swap3A = arith.constant 0 : index
    %swap3A_34 = tpu.vector_load %arg11[%swap3A] {strides = array<i32>} : memref<16xf32, #tpu.memory_space<vmem>>, vector<16xf32>,
    tpu.vector_store %arg11[%swap3A], %scan3A_32 {strides = array<i32>} : memref<16xf32, #tpu.memory_space<vmem>>, vector<16xf32>,
    "tpu.region"() ({
      %run_scoped3A = tpu.sem_alloc : memref<!tpu.dma_semaphore, #tpu.memory_space<semaphore_mem>>
      %dma_start3A = arith.constant 0 : i32
      %dma_start3A_35 = tpu.memref_slice %arg6[%arg0, %arg1, %dma_start3A] : memref<2x16x16xf32, #tpu.memory_space<hbm>> -> memref<1x1x16xf32, #tpu.memory_space<hbm>>
      %dma_start3A_36 = tpu.memref_squeeze %dma_start3A_35 : memref<1x1x16xf32, #tpu.memory_space<hbm>> -> memref<16xf32, #tpu.memory_space<hbm>>
      %dma_start3A_37 = arith.constant 0 : i32
      %dma_start3A_38 = tpu.memref_slice %arg6[%arg0, %arg1, %dma_start3A_37] : memref<2x16x16xf32, #tpu.memory_space<hbm>> -> memref<1x1x16xf32, #tpu.memory_space<hbm>>
      %dma_start3A_39 = tpu.memref_squeeze %dma_start3A_38 : memref<1x1x16xf32, #tpu.memory_space<hbm>> -> memref<16xf32, #tpu.memory_space<hbm>>
      tpu.enqueue_dma source(%arg11 : memref<16xf32, #tpu.memory_space<vmem>>) target(%dma_start3A_39 : memref<16xf32, #tpu.memory_space<hbm>>) target_semaphore(%run_scoped3A : memref<!tpu.dma_semaphore, #tpu.memory_space<semaphore_mem>>)
      %dma_wait3A = arith.constant 0 : i32
      %dma_wait3A_40 = tpu.memref_slice %arg6[%arg0, %arg1, %dma_wait3A] : memref<2x16x16xf32, #tpu.memory_space<hbm>> -> memref<1x1x16xf32, #tpu.memory_space<hbm>>
      %dma_wait3A_41 = tpu.memref_squeeze %dma_wait3A_40 : memref<1x1x16xf32, #tpu.memory_space<hbm>> -> memref<16xf32, #tpu.memory_space<hbm>>
      %dma_wait3A_42 = arith.constant 0 : i32
      %dma_wait3A_43 = tpu.memref_slice %arg6[%arg0, %arg1, %dma_wait3A_42] : memref<2x16x16xf32, #tpu.memory_space<hbm>> -> memref<1x1x16xf32, #tpu.memory_space<hbm>>
      %dma_wait3A_44 = tpu.memref_squeeze %dma_wait3A_43 : memref<1x1x16xf32, #tpu.memory_space<hbm>> -> memref<16xf32, #tpu.memory_space<hbm>>
      tpu.wait_dma2 semaphore(%run_scoped3A : memref<!tpu.dma_semaphore, #tpu.memory_space<semaphore_mem>>) src(%arg11 : memref<16xf32, #tpu.memory_space<vmem>>) dst(%dma_wait3A_44 : memref<16xf32, #tpu.memory_space<hbm>>)
      tpu.yield
    }) : () -> ()
    return
  }
}

module attributes {stable_mosaic.version = 14 : i64} {
  func.func @_enc_body(%arg0: i32, %arg1: memref<1000x128xf32, #tpu.memory_space<vmem>>, %arg2: memref<2x1000x144xf32, #tpu.memory_space<vmem>>, %arg3: memref<128x128xf32, #tpu.memory_space<vmem>>, %arg4: memref<1x128xf32, #tpu.memory_space<vmem>>, %arg5: memref<128x64xf32, #tpu.memory_space<vmem>>, %arg6: memref<128x64xf32, #tpu.memory_space<vmem>>, %arg7: memref<1000x144xf32, #tpu.memory_space<vmem>>, %arg8: memref<1000x144xf32, #tpu.memory_space<vmem>>) attributes {dimension_semantics = [#tpu.dimension_semantics<arbitrary>], iteration_bounds = array<i64: 10>, scalar_prefetch = 0 : i64, scratch_operands = 0 : i64, tpu.core_type = #tpu.core_type<tc>, window_params = [{transform_indices = @transform_0, window_bounds = array<i64: 1000, 128>}, {transform_indices = @transform_1, window_bounds = array<i64: 2, 1000, 144>}, {pipeline_mode = #tpu.pipeline_mode<synchronous>, transform_indices = @transform_2, window_bounds = array<i64: 128, 128>}, {pipeline_mode = #tpu.pipeline_mode<synchronous>, transform_indices = @transform_3, window_bounds = array<i64: 1, 128>}, {pipeline_mode = #tpu.pipeline_mode<synchronous>, transform_indices = @transform_4, window_bounds = array<i64: 128, 64>}, {pipeline_mode = #tpu.pipeline_mode<synchronous>, transform_indices = @transform_5, window_bounds = array<i64: 128, 64>}, {transform_indices = @transform_6, window_bounds = array<i64: 1000, 144>}, {transform_indices = @transform_7, window_bounds = array<i64: 1000, 144>}]} {
    %get3A = arith.constant 0 : index
    %get3A_0 = arith.constant 0 : index
    %get3A_1 = arith.constant 0 : index
    %get3A_2 = vector.load %arg2[%get3A, %get3A_0, %get3A_1] : memref<2x1000x144xf32, #tpu.memory_space<vmem>>, vector<1x1000x144xf32>
    %get3A_3 = vector.shape_cast %get3A_2 : vector<1x1000x144xf32> to vector<1000x144xf32>
    %get3A_4 = arith.constant 1 : index
    %get3A_5 = arith.constant 0 : index
    %get3A_6 = arith.constant 0 : index
    %get3A_7 = vector.load %arg2[%get3A_4, %get3A_5, %get3A_6] : memref<2x1000x144xf32, #tpu.memory_space<vmem>>, vector<1x1000x144xf32>
    %get3A_8 = vector.shape_cast %get3A_7 : vector<1x1000x144xf32> to vector<1000x144xf32>
    %add3A = arith.addf %get3A_3, %get3A_8 : vector<1000x144xf32>
    %slice3A = vector.extract_strided_slice %add3A {offsets = [0, 128], sizes = [1000, 1], strides = [1, 1]} : vector<1000x144xf32> to vector<1000x1xf32>
    %max3A = arith.constant 1.000000e+00 : f32
    %max3A_9 = vector.broadcast %max3A : f32 to vector<1000x1xf32>
    %max3A_10 = arith.maximumf %slice3A, %max3A_9 : vector<1000x1xf32>
    %slice3A_11 = vector.extract_strided_slice %add3A {offsets = [0, 0], sizes = [1000, 128], strides = [1, 1]} : vector<1000x144xf32> to vector<1000x128xf32>
    %div3A = vector.broadcast %max3A_10 : vector<1000x1xf32> to vector<1000x128xf32>
    %div3A_12 = arith.divf %slice3A_11, %div3A : vector<1000x128xf32>
    %get3A_13 = arith.constant 0 : index
    %get3A_14 = arith.constant 0 : index
    %get3A_15 = vector.load %arg1[%get3A_13, %get3A_14] : memref<1000x128xf32, #tpu.memory_space<vmem>>, vector<1000x128xf32>
    %add3A_16 = arith.addf %get3A_15, %div3A_12 : vector<1000x128xf32>
    %get3A_17 = arith.constant 0 : index
    %get3A_18 = arith.constant 0 : index
    %get3A_19 = vector.load %arg3[%get3A_17, %get3A_18] : memref<128x128xf32, #tpu.memory_space<vmem>>, vector<128x128xf32>
    %dot_general3A = arith.constant dense<0.000000e+00> : vector<1000x128xf32>
    %dot_general3A_20 = tpu.matmul %add3A_16, %get3A_19, %dot_general3A {dimension_numbers = #tpu.dot_dimension_numbers<[1], [0], [0], [1], [0, 0, 1, 1], [], []>, transpose_lhs_hint = false} : vector<1000x128xf32>, vector<128x128xf32>, vector<1000x128xf32> -> vector<1000x128xf32>
    %get3A_21 = arith.constant 0 : index
    %get3A_22 = arith.constant 0 : index
    %get3A_23 = vector.load %arg4[%get3A_21, %get3A_22] : memref<1x128xf32, #tpu.memory_space<vmem>>, vector<1x128xf32>
    %add3A_24 = vector.broadcast %get3A_23 : vector<1x128xf32> to vector<1000x128xf32>
    %add3A_25 = arith.addf %dot_general3A_20, %add3A_24 : vector<1000x128xf32>
    %max3A_26 = arith.constant 0.000000e+00 : f32
    %max3A_27 = vector.broadcast %max3A_26 : f32 to vector<1000x128xf32>
    %max3A_28 = arith.maximumf %add3A_25, %max3A_27 : vector<1000x128xf32>
    %get3A_29 = arith.constant 0 : index
    %get3A_30 = arith.constant 0 : index
    %get3A_31 = vector.load %arg5[%get3A_29, %get3A_30] : memref<128x64xf32, #tpu.memory_space<vmem>>, vector<128x64xf32>
    %dot_general3A_32 = arith.constant dense<0.000000e+00> : vector<1000x64xf32>
    %dot_general3A_33 = tpu.matmul %max3A_28, %get3A_31, %dot_general3A_32 {dimension_numbers = #tpu.dot_dimension_numbers<[1], [0], [0], [1], [0, 0, 1, 1], [], []>, transpose_lhs_hint = false} : vector<1000x128xf32>, vector<128x64xf32>, vector<1000x64xf32> -> vector<1000x64xf32>
    %get3A_34 = arith.constant 0 : index
    %get3A_35 = arith.constant 0 : index
    %get3A_36 = vector.load %arg6[%get3A_34, %get3A_35] : memref<128x64xf32, #tpu.memory_space<vmem>>, vector<128x64xf32>
    %dot_general3A_37 = arith.constant dense<0.000000e+00> : vector<1000x64xf32>
    %dot_general3A_38 = tpu.matmul %max3A_28, %get3A_36, %dot_general3A_37 {dimension_numbers = #tpu.dot_dimension_numbers<[1], [0], [0], [1], [0, 0, 1, 1], [], []>, transpose_lhs_hint = false} : vector<1000x128xf32>, vector<128x64xf32>, vector<1000x64xf32> -> vector<1000x64xf32>
    %gt3A = arith.constant 0.000000e+00 : f32
    %gt3A_39 = vector.broadcast %gt3A : f32 to vector<1000x64xf32>
    %gt3A_40 = arith.cmpf ogt, %dot_general3A_38, %gt3A_39 : vector<1000x64xf32>
    %exp3A = math.exp %dot_general3A_38 : vector<1000x64xf32>
    %sub3A = arith.constant 1.000000e+00 : f32
    %sub3A_41 = vector.broadcast %sub3A : f32 to vector<1000x64xf32>
    %sub3A_42 = arith.subf %exp3A, %sub3A_41 : vector<1000x64xf32>
    %select_n3A = arith.select %gt3A_40, %dot_general3A_38, %sub3A_42 : vector<1000x64xi1>, vector<1000x64xf32>
    %add3A_43 = arith.constant 1.000000e+00 : f32
    %add3A_44 = vector.broadcast %add3A_43 : f32 to vector<1000x64xf32>
    %add3A_45 = arith.addf %select_n3A, %add3A_44 : vector<1000x64xf32>
    %add3A_46 = arith.constant 9.99999982E-15 : f32
    %add3A_47 = vector.broadcast %add3A_46 : f32 to vector<1000x64xf32>
    %add3A_48 = arith.addf %add3A_45, %add3A_47 : vector<1000x64xf32>
    %div3A_49 = arith.constant 1.000000e+00 : f32
    %div3A_50 = vector.broadcast %div3A_49 : f32 to vector<1000x64xf32>
    %div3A_51 = arith.divf %div3A_50, %add3A_48 : vector<1000x64xf32>
    %mul3A = arith.mulf %dot_general3A_33, %div3A_51 : vector<1000x64xf32>
    %log3A = math.log %add3A_48 : vector<1000x64xf32>
    %reduce_sum3A = arith.constant dense<0.000000e+00> : vector<1000xf32>
    %reduce_sum3A_52 = vector.multi_reduction <add>, %log3A, %reduce_sum3A [1] : vector<1000x64xf32> to vector<1000xf32>
    %broadcast_in_dim3A = vector.shape_cast %reduce_sum3A_52 : vector<1000xf32> to vector<1000x1xf32>
    %mul3A_53 = arith.mulf %dot_general3A_33, %mul3A : vector<1000x64xf32>
    %reduce_sum3A_54 = arith.constant dense<0.000000e+00> : vector<1000xf32>
    %reduce_sum3A_55 = vector.multi_reduction <add>, %mul3A_53, %reduce_sum3A_54 [1] : vector<1000x64xf32> to vector<1000xf32>
    %broadcast_in_dim3A_56 = vector.shape_cast %reduce_sum3A_55 : vector<1000xf32> to vector<1000x1xf32>
    %broadcast_in_dim3A_57 = arith.constant 0.000000e+00 : f32
    %broadcast_in_dim3A_58 = vector.broadcast %broadcast_in_dim3A_57 : f32 to vector<1000x15xf32>
    %add3A_59 = arith.addf %broadcast_in_dim3A_56, %broadcast_in_dim3A : vector<1000x1xf32>
    %concatenate3A = tpu.concatenate %div3A_51, %mul3A, %add3A_59, %broadcast_in_dim3A_58 in 1 : vector<1000x64xf32>, vector<1000x64xf32>, vector<1000x1xf32>, vector<1000x15xf32> -> vector<1000x144xf32>
    %swap3A = arith.constant 0 : index
    %swap3A_60 = arith.constant 0 : index
    %swap3A_61 = vector.load %arg7[%swap3A, %swap3A_60] : memref<1000x144xf32, #tpu.memory_space<vmem>>, vector<1000x144xf32>
    tpu.vector_store %arg7[%swap3A, %swap3A_60], %concatenate3A {strides = array<i32>} : memref<1000x144xf32, #tpu.memory_space<vmem>>, vector<1000x144xf32>,
    %mul3A_62 = arith.mulf %dot_general3A_33, %dot_general3A_33 : vector<1000x64xf32>
    %add3A_63 = arith.addf %add3A_48, %mul3A_62 : vector<1000x64xf32>
    %mul3A_64 = arith.constant -2.000000e+00 : f32
    %mul3A_65 = vector.broadcast %mul3A_64 : f32 to vector<1000x64xf32>
    %mul3A_66 = arith.mulf %mul3A_65, %dot_general3A_33 : vector<1000x64xf32>
    %concatenate3A_67 = tpu.concatenate %add3A_63, %mul3A_66, %broadcast_in_dim3A, %broadcast_in_dim3A_58 in 1 : vector<1000x64xf32>, vector<1000x64xf32>, vector<1000x1xf32>, vector<1000x15xf32> -> vector<1000x144xf32>
    %swap3A_68 = arith.constant 0 : index
    %swap3A_69 = arith.constant 0 : index
    %swap3A_70 = vector.load %arg8[%swap3A_68, %swap3A_69] : memref<1000x144xf32, #tpu.memory_space<vmem>>, vector<1000x144xf32>
    tpu.vector_store %arg8[%swap3A_68, %swap3A_69], %concatenate3A_67 {strides = array<i32>} : memref<1000x144xf32, #tpu.memory_space<vmem>>, vector<1000x144xf32>,
    return
  }
  func.func @transform_0(%arg0: i32) -> (i32, i32) {
    %c0_i32 = arith.constant 0 : i32
    %c0_i32_0 = arith.constant 0 : i32
    return %arg0, %c0_i32 : i32, i32
  }
  func.func @transform_1(%arg0: i32) -> (i32, i32, i32) {
    %c0_i32 = arith.constant 0 : i32
    %c0_i32_0 = arith.constant 0 : i32
    %c0_i32_1 = arith.constant 0 : i32
    return %c0_i32, %arg0, %c0_i32_0 : i32, i32, i32
  }
  func.func @transform_2(%arg0: i32) -> (i32, i32) {
    %c0_i32 = arith.constant 0 : i32
    %c0_i32_0 = arith.constant 0 : i32
    %c0_i32_1 = arith.constant 0 : i32
    return %c0_i32, %c0_i32_0 : i32, i32
  }
  func.func @transform_3(%arg0: i32) -> (i32, i32) {
    %c0_i32 = arith.constant 0 : i32
    %c0_i32_0 = arith.constant 0 : i32
    %c0_i32_1 = arith.constant 0 : i32
    return %c0_i32, %c0_i32_0 : i32, i32
  }
  func.func @transform_4(%arg0: i32) -> (i32, i32) {
    %c0_i32 = arith.constant 0 : i32
    %c0_i32_0 = arith.constant 0 : i32
    %c0_i32_1 = arith.constant 0 : i32
    return %c0_i32, %c0_i32_0 : i32, i32
  }
  func.func @transform_5(%arg0: i32) -> (i32, i32) {
    %c0_i32 = arith.constant 0 : i32
    %c0_i32_0 = arith.constant 0 : i32
    %c0_i32_1 = arith.constant 0 : i32
    return %c0_i32, %c0_i32_0 : i32, i32
  }
  func.func @transform_6(%arg0: i32) -> (i32, i32) {
    %c0_i32 = arith.constant 0 : i32
    %c0_i32_0 = arith.constant 0 : i32
    return %arg0, %c0_i32 : i32, i32
  }
  func.func @transform_7(%arg0: i32) -> (i32, i32) {
    %c0_i32 = arith.constant 0 : i32
    %c0_i32_0 = arith.constant 0 : i32
    return %arg0, %c0_i32 : i32, i32
  }
}

</mosaic_0001>

<sc_bundles>
// kernel: kernel.5.cloned.1.call-start
scs
__scs_entry_jumppad:
0x0: {  	(pc) =	sbr.rel $0x88, $3  }
0x1: {  	(tag) =	ssettag $0x0;
	lr =	simm.s32 $0x1  }
0x2: {  	[smem:$0x3F99] =	sst lr;
	_ =	strace $0xD0000000  }
0x3: {  	_ = 	snop  }
0x4: {  	_ = 	snop  }
0x5: {  	_ = 	snop  }
0x6: {  	_ = 	snop  }
0x7: {  	_ = 	snop  }
__scs_overlays_trampoline_lowered:
0x8: {  	[smem:$0x3FA8] =	sst s0  }
0x9: {  	[smem:$0x3FA9] =	sst s1  }
0xa: {  	[smem:$0x3FAA] =	sst s2  }
0xb: {  	[smem:$0x3FAB] =	sst s3  }
0xc: {  	[smem:$0x3FAC] =	sst s4  }
0xd: {  	[smem:$0x3FAD] =	sst s5  }
0xe: {  	[smem:$0x3FAE] =	sst s6  }
0xf: {  	[smem:$0x3FAF] =	sst s7  }
0x10: {  	[smem:$0x3FB0] =	sst s8  }
0x11: {  	[smem:$0x3FB1] =	sst s9;
	s0 =	simm.s32 @!p0 $0x0  }
0x12: {  	s1 =	sld [smem:$0x3F97];
	s0 =	simm.s32 @p0 $0x1  }
0x13: {  	[smem:$0x3FB2] =	sst s0;
	s0 =	simm.s32 @!p1 $0x0  }
0x14: {  	s2 =	sld [smem:$0x3F96];
	s0 =	simm.s32 @p1 $0x1  }
0x15: {  	[smem:$0x3FB3] =	sst s0;
	s0 =	simm.s32 @!p2 $0x0  }
0x16: {  	s3 =	sld [smem:$0x3FDB];
	s0 =	simm.s32 @p2 $0x1  }
0x17: {  	s4 =	simm.s32 $0x1BF5;
	[smem:$0x3FB5] =	sst s0  }
0x18: {  	s0 =	sld [smem:$0x3F98];
	_ =	swait.ge [sflag:s4], $0x0  }
0x19: {  	s7 =	sld [smem:$0x3F99]  }
0x1a: {  	s8 =	sadd.s32 $0xFFFFE003, lr  }
0x1b: {  	s9 =	sadd.s32 $0xFFFFFEF7, lr;
	s5 =	simm.s32 $0xFFFFFFFF;
	p2 =	slt.u32 s8, $0xFFFFF086  }
0x1c: {  	p1 =	slt.u32 s9, $0xF7A;
	s5 =	simm.s32 @!p2 $0x0  }
0x1d: {  	s5 =	simm.s32 @p1 $0x1;
	p0 =	seq.s32 s7, s2  }
0x1e: {  	s7 =	smul.u32 @!p0 $0xF7A, s2;
	p2 =	seq.s32 @!p0 s5, $0x0  }
0x1f: {  	s9 =	smul.u32 $0xF7A, s1;
	s8 =	simm.s32 @!p0 $0x1BF5;
	p2 =	por !p2, p0  }
0x20: {  	[sflag:s8] =	ssyncset.s32 @!p0 $0xFFFFF086;
	s6 =	sadd.s32 @!p0 s3, s7;
	s7 =	simm.s32 @!p0 $0x108  }
0x21: {  	s3 =	sadd.s32 s3, s9;
	s6 =	sadd.s32 @!p0 $0x88, s6;
	s7 =	simm.s32 @p2 $0x1082  }
0x22: {  	[simem:s7], [sflag:s8] =	dma.local @!p0 [hbm:s6], $0xF7A  }
0x23: {  	s9 =	sor.u32 $0xD0000000, s2;
	s6 =	simm.s32 $0x108;
	_ =	swait.ge @!p0 [sflag:s8], $0x0  }
0x24: {  	s3 =	sadd.s32 $0x88, s3;
	s6 =	simm.s32 @!p1 $0x1082;
	[sflag:s4] =	ssyncset.s32 $0xFFFFF086  }
0x25: {  	[simem:s6], [sflag:s4] =	dma.local [hbm:s3], $0xF7A  }
0x26: {  	[smem:$0x3F99] =	sst s1;
	(tag) =	ssettag s2;
	_ =	strace s9  }
0x27: {  	s1 =	sld [smem:$0x3FA9]  }
0x28: {  	s2 =	sld [smem:$0x3FAA]  }
0x29: {  	s4 =	sld [smem:$0x3FAC]  }
0x2a: {  	p0 =	seq.s32 s5, $0x0;
	s5 =	sld [smem:$0x3FAD]  }
0x2b: {  	s6 =	sld [smem:$0x3FAE]  }
0x2c: {  	s7 =	sld [smem:$0x3FAF]  }
0x2d: {  	s3 =	simm.s32 $0x108;
	s8 =	sld [smem:$0x3FB0]  }
0x2e: {  	s3 =	simm.s32 @!p0 $0x1082;
	s9 =	sld [smem:$0x3FB1]  }
0x2f: {  	lr =	sadd.s32 s0, s3;
	s0 =	sld [smem:$0x3FA8]  }
0x30: {  	s3 =	sld [smem:$0x3FAB]  }
0x31: {  	[smem:$0x3FB4] =	sst s10  }
0x32: {  	s10 =	sld [smem:$0x3FB2];
	_ =	sdelay $0x3  }
0x33: {  	p0 =	seq.s32 s10, $0x1;
	s10 =	sld [smem:$0x3FB4];
	_ =	sdelay $0x3  }
0x34: {  	[smem:$0x3FB4] =	sst s10  }
0x35: {  	s10 =	sld [smem:$0x3FB3];
	_ =	sdelay $0x3  }
0x36: {  	p1 =	seq.s32 s10, $0x1;
	s10 =	sld [smem:$0x3FB4];
	_ =	sdelay $0x3  }
0x37: {  	[smem:$0x3FB4] =	sst s10  }
0x38: {  	s10 =	sld [smem:$0x3FB5]  }
0x39: {  	_ = 	snop;
	(pc) =	sbr.ind lr, $3  }
0x3a: {  	_ = 	snop  }
0x3b: {  	_ = 	snop  }
0x3c: {  	p2 =	seq.s32 s10, $0x1;
	s10 =	sld [smem:$0x3FB4]  }
0x3d: {  	_ =	shalt  }
0x3e: {  	_ =	shalt  }
0x3f: {  	_ =	shalt  }
0x40: {  	_ =	shalt  }
0x41: {  	_ =	shalt  }
0x42: {  	_ =	shalt  }
0x43: {  	_ =	shalt  }
0x44: {  	_ =	shalt  }
0x45: {  	_ =	shalt  }
0x46: {  	_ =	shalt  }
0x47: {  	_ =	shalt  }
0x48: {  	_ =	shalt  }
0x49: {  	_ =	shalt  }
0x4a: {  	_ =	shalt  }
0x4b: {  	_ =	shalt  }
0x4c: {  	_ =	shalt  }
0x4d: {  	_ =	shalt  }
0x4e: {  	_ =	shalt  }
0x4f: {  	_ =	shalt  }
0x50: {  	_ =	shalt  }
0x51: {  	_ =	shalt  }
0x52: {  	_ =	shalt  }
0x53: {  	_ =	shalt  }
0x54: {  	_ =	shalt  }
0x55: {  	_ =	shalt  }
0x56: {  	_ =	shalt  }
0x57: {  	_ =	shalt  }
0x58: {  	_ =	shalt  }
0x59: {  	_ =	shalt  }
0x5a: {  	_ =	shalt  }
0x5b: {  	_ =	shalt  }
0x5c: {  	_ =	shalt  }
0x5d: {  	_ =	shalt  }
0x5e: {  	_ =	shalt  }
0x5f: {  	_ =	shalt  }
0x60: {  	_ =	shalt  }
0x61: {  	_ =	shalt  }
0x62: {  	_ =	shalt  }
0x63: {  	_ =	shalt  }
0x64: {  	_ =	shalt  }
0x65: {  	_ =	shalt  }
0x66: {  	_ =	shalt  }
0x67: {  	_ =	shalt  }
0x68: {  	_ =	shalt  }
0x69: {  	_ =	shalt  }
0x6a: {  	_ =	shalt  }
0x6b: {  	_ =	shalt  }
0x6c: {  	_ =	shalt  }
0x6d: {  	_ =	shalt  }
0x6e: {  	_ =	shalt  }
0x6f: {  	_ =	shalt  }
0x70: {  	_ =	shalt  }
0x71: {  	_ =	shalt  }
0x72: {  	_ =	shalt  }
0x73: {  	_ =	shalt  }
0x74: {  	_ =	shalt  }
0x75: {  	_ =	shalt  }
0x76: {  	_ =	shalt  }
0x77: {  	_ =	shalt  }
0x78: {  	_ =	shalt  }
0x79: {  	_ =	shalt  }
0x7a: {  	_ =	shalt  }
0x7b: {  	_ =	shalt  }
0x7c: {  	_ =	shalt  }
0x7d: {  	_ =	shalt  }
0x7e: {  	_ =	shalt  }
0x7f: {  	_ =	shalt  }
0x80: {  	_ =	shalt  }
0x81: {  	_ =	shalt  }
0x82: {  	_ =	shalt  }
0x83: {  	_ =	shalt  }
0x84: {  	_ =	shalt  }
0x85: {  	_ =	shalt  }
0x86: {  	_ =	shalt  }
0x87: {  	_ =	shalt  }
.Lfunc_end0:
.L_simem_size_0:
called_computation_lowered:
.L_overlay_start_0:
0x88: {  	s2 =	sld [smem:$0x3FD9]  }
0x89: {  	s3 =	sld [smem:$0x3FFE];
	_ =	sdelay $0x1  }
0x8a: {  	s1 =	srdreg.scid  }
0x8b: {  	s0 =	sand.u32 $0x1, s1  }
0x8c: {  	s16 =	sshll.u32 s0, $0xA;
	s2 =	sadd.s32 s3, s2  }
0x8d: {  	s2 =	sadd.s32 s2, s16  }
0x8e: {  	[smem:$0x3FC0] =	sst s2  }
0x8f: {  	_ = 	snop  }
0x90: {  	(tm) =	ssettm $0x1  }
0x91: {  	s17 =	sld [smem:$0x3FFB];
	_ =	sdelay $0x3  }
0x92: {  	_ =	strace s17  }
0x93: {  	s2 =	sld [smem:$0x3FFC];
	_ =	sdelay $0x3  }
0x94: {  	_ =	strace s2  }
0x95: {  	s2 =	sld [smem:$0x3FFD];
	_ =	sdelay $0x3  }
0x96: {  	_ =	strace s2  }
0x97: {  	_ =	strace $0x8FFFFFFF  }
0x98: {  	s18 =	sld [smem:$0x3FDB];
	_ =	sdelay $0x1  }
0x99: {  	s19 =	simm.s32 $_scs_section_size  }
0x9a: {  	s4 =	simm.s32 $_size__tile_overlayer_lowered;
	s5 =	simm.s32 $_tile_overlayer_lowered  }
0x9b: {  	s22 =	simm.s32 $0x1BFF;
	s21 =	sshll.u32 s5, $0x1;
	s2 =	sadd.s32 s19, s18  }
0x9c: {  	s6 =	simm.s32 $0x0;
	s20 =	sshll.u32 s4, $0x1;
	s4 =	sadd.s32 s21, s2  }
0x9d: {  	[timem:s6], [sflag:s22] =	dma.local [hbm:s4], s20  }
0x9e: {  	_ =	swait.ge [sflag:s22], s20  }
0x9f: {  	s3 =	ssub.s32 $0x0, s20;
	[sflag:s22] =	ssyncset.done $0x0  }
0xa0: {  	[sflag:s22] =	ssyncadd.s32 s3;
	_ =	sdelay $0x1  }
0xa1: {  	s23 =	simm.s32 $0x1B8B  }
0xa2: {  	_ =	swait.ge [sflag:s23], $0x1  }
0xa3: {  	[sflag:s23] =	ssyncset.done $0x0  }
0xa4: {  	s25 =	simm.s32 $0x1B8E;
	s24 =	sld [smem:$0x3FFE];
	[sflag:s23] =	ssyncadd.s32 $0xFFFFFFFF  }
0xa5: {  	s26 =	simm.s32 $execute0_lowered;
	[smem:$0x3FD2] =	sst s25  }
0xa6: {  	s4 =	sshll.u32 s26, $0x1;
	_ =	strace $0x80000046;
	[dreg:$0x1] =	wrdreg $0xFFFFFFFF  }
0xa7: {  	s28 =	simm.s32 $_size_execute0_lowered;
	s2 =	sadd.s32 s2, s4;
	[dreg:$0x0] =	wrdreg $0x0  }
0xa8: {  	s4 =	sshll.u32 s28, $0x1;
	[dreg:$0x2] =	wrdreg s2  }
0xa9: {  	[dreg:$0x3] =	wrdreg s4  }
0xaa: {  	[dreg:$0x4] =	wrdreg $0xC0  }
0xab: {  	_ =	task [dreg:s6], $0x5FFFF  }
0xac: {  	[dreg:$0x1] =	wrdreg $0xFFFFFFFF  }
0xad: {  	[dreg:$0x0] =	wrdreg $0x60  }
0xae: {  	[dreg:$0x2] =	wrdreg s24  }
0xaf: {  	[dreg:$0x3] =	wrdreg $0x0  }
0xb0: {  	[dreg:$0x4] =	wrdreg $0x9  }
0xb1: {  	_ =	task.clear_ibuf [dreg:s6], $0x5FFFF;
	_ =	strace $0x90000046  }
0xb2: {  	s29 =	simm.s32 $0x9;
	_ =	strace $0x80000048  }
0xb3: {  	_ =	swait.ge [sflag:s29], $0x1  }
0xb4: {  	[sflag:s29] =	ssyncadd.s32 $0xFFFFFFFF  }
0xb5: {  	_ =	strace $0x90000048  }
0xb6: {  	_ =	sfence  }
0xb7: {  	s30 =	sld [smem:$0x0];
	_ =	sdelay $0x2  }
0xb8: {  	s31 =	sshll.u32 s1, $0xD;
	s1 =	sshrl.u32 s1, $0x2  }
0xb9: {  	s3 =	sand.u32 $0x4000, s31;
	s1 =	sadd.s32 s1, s30  }
0xba: {  	s0 =	sor.u32 s3, s0;
	s1 =	sshll.u32 s1, $0x11  }
0xbb: {  	s0 =	sor.u32 s1, s0  }
0xbc: {  	s0 =	sadd.s32 $0x8F2B, s0  }
0xbd: {  	[sflag:s0] =	ssyncadd.remote.s32 $0x1  }
0xbe: {  	_ =	sfence.sel $0xFFFF  }
0xbf: {  	[dreg:$0x0] =	wrdreg $0xFFFFFFFF;
	(pc) =	sbr.abs _section_cstart, $3  }
0xc0: {  	[dreg:$0x1] =	wrdreg $0xFFFFFFFF  }
0xc1: {  	_ =	task.clear_ibuf [dreg:s6], $0x2FFFF;
	_ =	strace $0x9FFFFFFF  }
0xc2: {  	(tm) =	ssettm $0x7FFFFFFF  }
0xc3: {  	_ =	shalt  }
tec
execute0_lowered:
.L_overlay_start_1:
0x0: {  	(tag) =	ssettag $0x1  }
0x1: {  	s6 =	rddreg [dreg:$0x0]  }
0x2: {  	s2 =	rddreg [dreg:$0x1]  }
0x3: {  	s0 =	rddreg [dreg:$0x2];
	s3 =	simm.s32 $0x0;
	s4 =	srdreg.scid  }
0x4: {  	s1 =	stileid.u32;
	s14 =	simm.s32 $0x15FE0;
	s15 =	simm.s32 $0x50  }
0x5: {  	s16 =	simm.s32 $0x16030;
	s17 =	simm.s32 $0x1;
	s18 =	simm.s32 $0x0  }
0x6: {  	[smem:$0x7FF] =	sst s3;
	s7 =	sand.u32 $0x1, s4;
	s8 =	smul.u32 $0x15F90, s1  }
0x7: {  	s4 =	sadd.s32 $0x1C00, s6;
	s10 =	sadd.s32 $0x2DC00, s6;
	s13 =	smul.u32 $0x2710, s1  }
0x8: {  	s5 =	sadd.s32 $0x41600, s6;
	s26 =	sshll.u32 s1, $0x6;
	s9 =	smul.u32 $0x15F900, s7  }
0x9: {  	_ =	strace $0x80000047;
	s11 =	ssub.s32 $0x2, s7;
	s7 =	smul.u32 $0x27100, s7  }
0xa: {  	s12 =	sshrl.u32 s11, $0x1;
	s28 =	sadd.s32 s8, s2;
	s9 =	sadd.s32 s8, s9  }
0xb: {  	s11 =	ssub.s32 s11, s12;
	s29 =	sadd.s32 s13, s7;
	s12 =	simm.s32 $0x2  }
0xc: {  	s9 =	sshrl.u32 s9, $0x3;
	s30 =	sshrl.u32 s29, $0x3;
	s13 =	sadd.s32 $0x4E200, s29  }
0xd: {  	s8 =	smax.u32 s11, $0x1;
	s11 =	sshrl.u32 s28, $0x3;
	s9 =	sadd.s32 s9, s6  }
0xe: {  	s6 =	sor.u32 $0x1C02, s26;
	s31 =	sshrl.u32 s13, $0x3;
	s13 =	simm.s32 $0x15F90  }
0xf: {  	s7 =	sadd.s32 $0x44200, s9;
	s9 =	sadd.s32 s30, s10;
	s10 =	sadd.s32 s31, s10  }
.LBB2_1:
0x10: {  	[spmem:s11], [sflag:s6] =	dma.local [hbm:s5], $0x2BF2  }
0x11: {  	_ =	swait.ge [sflag:s12], $0x2BF2  }
0x12: {  	[sflag:s12] =	ssyncset.done $0x0  }
0x13: {  	[sflag:s12] =	ssyncadd.s32 $0xFFFFD40E  }
0x14: {  	s19 =	sadd.s32 $0x0, s9;
	[bflag:$0x0] =	sbarrier.arrive $0xFFFF  }
0x15: {  	[tilespmem:s13], [sflag:$0x2] =	stream.linear.gather [hbm4b:s19+s3], $0x50, $0x38;
	[tilespmem:$0x18D30] =	vst v63  }
0x16: {  	_ =	swait.ge [sflag:s12], $0x50  }
0x17: {  	[sflag:s12] =	ssyncset.done $0x0  }
0x18: {  	s31 =	sadd.s32 $0x0, s10;
	[sflag:s12] =	ssyncadd.s32 $0xFFFFFFB0  }
0x19: {  	[tilespmem:s14], [sflag:$0x2] =	stream.linear.gather [hbm4b:s31+s3], $0x50, $0x38;
	[tilespmem:$0x18D30] =	vst v63  }
0x1a: {  	_ =	swait.ge [sflag:s12], $0x50  }
0x1b: {  	[sflag:s12] =	ssyncset.done $0x0  }
0x1c: {  	[sflag:s12] =	ssyncadd.s32 $0xFFFFFFB0  }
0x1d: {  	[tilespmem:s16], [sflag:$0x1] =	stream.indirect.gather [hbm4b:s4+s15], $0x90, s13, s15, $0xb8;
	[tilespmem:$0x18D30] =	vst v63  }
0x1e: {  	_ =	swait.ge [sflag:s17], $0x2D00  }
0x1f: {  	[sflag:s17] =	ssyncset.done $0x0  }
0x20: {  	[sflag:s17] =	ssyncadd.s32 $0xFFFFD300  }
0x21: {  	[spmem:s2] =	stream.indirect.scatter.add.f32 [tilespmem:s16], [sflag:$0x2], $0x90, s14, s15, $0xb8;
	[tilespmem:$0x18D30] =	vst v63  }
0x22: {  	_ =	swait.ge [sflag:s12], $0x2D00  }
0x23: {  	s20 =	simm.s32 $0x14;
	s19 =	simm.s32 $0xA;
	[sflag:s12] =	ssyncset.done $0x0  }
.LBB2_2:
0x24: {  	s21 =	sadd.s32 s19, s9  }
0x25: {  	[sflag:s12] =	ssyncadd.s32 $0xFFFFD300;
	s22 =	smov.u32 s20;
	s23 =	sadd.s32 $0xA, s20  }
0x26: {  	[tilespmem:s13], [sflag:$0x2] =	stream.linear.gather [hbm4b:s21+s3], $0x50, $0x38;
	[tilespmem:$0x18D30] =	vst v63  }
0x27: {  	p0 =	sne.s32 s20, $0x4D8;
	_ =	swait.ge [sflag:s12], $0x50  }
0x28: {  	[sflag:s12] =	ssyncset.done $0x0  }
0x29: {  	s20 =	sadd.s32 s19, s10;
	s19 =	smov.u32 s22;
	[sflag:s12] =	ssyncadd.s32 $0xFFFFFFB0  }
0x2a: {  	[tilespmem:s14], [sflag:$0x2] =	stream.linear.gather [hbm4b:s20+s3], $0x50, $0x38;
	[tilespmem:$0x18D30] =	vst v63  }
0x2b: {  	_ =	swait.ge [sflag:s12], $0x50  }
0x2c: {  	[sflag:s12] =	ssyncset.done $0x0  }
0x2d: {  	[sflag:s12] =	ssyncadd.s32 $0xFFFFFFB0  }
0x2e: {  	[tilespmem:s16], [sflag:$0x1] =	stream.indirect.gather [hbm4b:s4+s15], $0x90, s13, s15, $0xb8;
	[tilespmem:$0x18D30] =	vst v63  }
0x2f: {  	_ =	swait.ge [sflag:s17], $0x2D00  }
.Ltmp0:
0x30: {  	[sflag:s17] =	ssyncset.done $0x0;
	(pc) =	sbr.rel @p0 .LBB2_2-.Ltmp0, $4  }
0x31: {  	[sflag:s17] =	ssyncadd.s32 $0xFFFFD300  }
0x32: {  	[spmem:s2] =	stream.indirect.scatter.add.f32 [tilespmem:s16], [sflag:$0x2], $0x90, s14, s15, $0xb8;
	[tilespmem:$0x18D30] =	vst v63  }
0x33: {  	_ =	swait.ge [sflag:s12], $0x2D00  }
0x34: {  	s20 =	smov.u32 s23;
	[sflag:s12] =	ssyncset.done $0x0  }
0x35: {  	s20 =	sadd.s32 s19, s9;
	[sflag:s12] =	ssyncadd.s32 $0xFFFFD300  }
0x36: {  	[tilespmem:s13], [sflag:$0x2] =	stream.linear.gather [hbm4b:s20+s3], $0x50, $0x38;
	[tilespmem:$0x18D30] =	vst v63  }
0x37: {  	_ =	swait.ge [sflag:s12], $0x50  }
0x38: {  	[sflag:s12] =	ssyncset.done $0x0  }
0x39: {  	s31 =	sadd.s32 s19, s10;
	[sflag:s12] =	ssyncadd.s32 $0xFFFFFFB0  }
0x3a: {  	[tilespmem:s14], [sflag:$0x2] =	stream.linear.gather [hbm4b:s31+s3], $0x50, $0x38;
	[tilespmem:$0x18D30] =	vst v63  }
0x3b: {  	_ =	swait.ge [sflag:s12], $0x50  }
0x3c: {  	[sflag:s12] =	ssyncset.done $0x0  }
0x3d: {  	[sflag:s12] =	ssyncadd.s32 $0xFFFFFFB0  }
0x3e: {  	[tilespmem:s16], [sflag:$0x1] =	stream.indirect.gather [hbm4b:s4+s15], $0x90, s13, s15, $0xb8;
	[tilespmem:$0x18D30] =	vst v63  }
0x3f: {  	_ =	swait.ge [sflag:s17], $0x2D00  }
0x40: {  	[sflag:s17] =	ssyncset.done $0x0  }
0x41: {  	[sflag:s17] =	ssyncadd.s32 $0xFFFFD300  }
0x42: {  	[spmem:s2] =	stream.indirect.scatter.add.f32 [tilespmem:s16], [sflag:$0x2], $0x90, s14, s15, $0xb8;
	[tilespmem:$0x18D30] =	vst v63  }
0x43: {  	_ =	swait.ge [sflag:s12], $0x2D00  }
0x44: {  	s18 =	sadd.s32 $0x1, s18;
	[sflag:s12] =	ssyncset.done $0x0  }
0x45: {  	p0 =	sne.s32 s18, s8;
	[sflag:s12] =	ssyncadd.s32 $0xFFFFD300  }
.Ltmp1:
0x46: {  	[bflag:$0x0] =	sbarrier.arrive $0xFFFF;
	(pc) =	sbr.rel @p0 .LBB2_1-.Ltmp1, $4  }
0x47: {  	[hbm:s7], [sflag:s6] =	dma.local [spmem:s11], $0x2BF2  }
0x48: {  	_ =	swait.ge [sflag:s12], $0x2BF2  }
0x49: {  	[sflag:s12] =	ssyncset.done $0x0  }
0x4a: {  	[sflag:s12] =	ssyncadd.s32 $0xFFFFD40E  }
0x4b: {  	_ =	sfence.sel $0x180000  }
0x4c: {  	[bflag:$0x0] =	sbarrier.arrive $0xFFFF  }
0x4d: {  	p0 =	sne.s32 s1, $0x0;
	_ =	strace $0x90000047  }
0x4e: {  	s0 =	sadd.s32 @!p0 $0x100000, s0;
	[bflag:$0x2] =	sbarrier.arrive $0xFFFF  }
0x4f: {  	[sflag:s0] =	ssyncadd.tile.s32 @!p0 $0x1;
	_ =	shalt  }
.Lfunc_end2:
_tile_overlayer_lowered:
.L_overlay_start_2:
0x50: {  	(tag) =	ssettag $0x2  }
0x51: {  	s0 =	rddreg [dreg:$0x0];
	s2 =	stileid.u32  }
0x52: {  	s1 =	rddreg [dreg:$0x1];
	p0 =	sne.s32 s2, $0x0  }
0x53: {  	s3 =	rddreg [dreg:$0x2];
	[bflag:$0x3] =	sbarrier.arrive $0xFFFF;
	s2 =	simm.s32 @!p0 $0x1C02  }
0x54: {  	[timem:s3], [sflag:s2] =	dma.local @!p0 [hbm:s0], s1  }
0x55: {  	s0 =	simm.s32 @!p0 $0x2  }
0x56: {  	_ =	swait.ge @!p0 [sflag:s0], s1  }
0x57: {  	s1 =	ssub.s32 @!p0 $0x0, s1;
	[sflag:s0] =	ssyncset.done @!p0 $0x0  }
0x58: {  	[sflag:s0] =	ssyncadd.s32 @!p0 s1  }
0x59: {  	[bflag:$0x3] =	sbarrier.arrive $0xFFFF  }
0x5a: {  	_ =	shalt  }

// kernel: kernel.8.cloned.1.call-start
scs
__scs_entry_jumppad:
0x0: {  	(pc) =	sbr.rel $0x88, $3  }
0x1: {  	(tag) =	ssettag $0x0;
	lr =	simm.s32 $0x1  }
0x2: {  	[smem:$0x3F99] =	sst lr;
	_ =	strace $0xD0000000  }
0x3: {  	_ = 	snop  }
0x4: {  	_ = 	snop  }
0x5: {  	_ = 	snop  }
0x6: {  	_ = 	snop  }
0x7: {  	_ = 	snop  }
__scs_overlays_trampoline_lowered:
0x8: {  	[smem:$0x3FA8] =	sst s0  }
0x9: {  	[smem:$0x3FA9] =	sst s1  }
0xa: {  	[smem:$0x3FAA] =	sst s2  }
0xb: {  	[smem:$0x3FAB] =	sst s3  }
0xc: {  	[smem:$0x3FAC] =	sst s4  }
0xd: {  	[smem:$0x3FAD] =	sst s5  }
0xe: {  	[smem:$0x3FAE] =	sst s6  }
0xf: {  	[smem:$0x3FAF] =	sst s7  }
0x10: {  	[smem:$0x3FB0] =	sst s8  }
0x11: {  	[smem:$0x3FB1] =	sst s9;
	s0 =	simm.s32 @!p0 $0x0  }
0x12: {  	s1 =	sld [smem:$0x3F97];
	s0 =	simm.s32 @p0 $0x1  }
0x13: {  	[smem:$0x3FB2] =	sst s0;
	s0 =	simm.s32 @!p1 $0x0  }
0x14: {  	s2 =	sld [smem:$0x3F96];
	s0 =	simm.s32 @p1 $0x1  }
0x15: {  	[smem:$0x3FB3] =	sst s0;
	s0 =	simm.s32 @!p2 $0x0  }
0x16: {  	s3 =	sld [smem:$0x3FDB];
	s0 =	simm.s32 @p2 $0x1  }
0x17: {  	s4 =	simm.s32 $0x1BF5;
	[smem:$0x3FB5] =	sst s0  }
0x18: {  	s0 =	sld [smem:$0x3F98];
	_ =	swait.ge [sflag:s4], $0x0  }
0x19: {  	s7 =	sld [smem:$0x3F99]  }
0x1a: {  	s8 =	sadd.s32 $0xFFFFE003, lr  }
0x1b: {  	s9 =	sadd.s32 $0xFFFFFEF7, lr;
	s5 =	simm.s32 $0xFFFFFFFF;
	p2 =	slt.u32 s8, $0xFFFFF086  }
0x1c: {  	p1 =	slt.u32 s9, $0xF7A;
	s5 =	simm.s32 @!p2 $0x0  }
0x1d: {  	s5 =	simm.s32 @p1 $0x1;
	p0 =	seq.s32 s7, s2  }
0x1e: {  	s7 =	smul.u32 @!p0 $0xF7A, s2;
	p2 =	seq.s32 @!p0 s5, $0x0  }
0x1f: {  	s9 =	smul.u32 $0xF7A, s1;
	s8 =	simm.s32 @!p0 $0x1BF5;
	p2 =	por !p2, p0  }
0x20: {  	[sflag:s8] =	ssyncset.s32 @!p0 $0xFFFFF086;
	s6 =	sadd.s32 @!p0 s3, s7;
	s7 =	simm.s32 @!p0 $0x108  }
0x21: {  	s3 =	sadd.s32 s3, s9;
	s6 =	sadd.s32 @!p0 $0x88, s6;
	s7 =	simm.s32 @p2 $0x1082  }
0x22: {  	[simem:s7], [sflag:s8] =	dma.local @!p0 [hbm:s6], $0xF7A  }
0x23: {  	s9 =	sor.u32 $0xD0000000, s2;
	s6 =	simm.s32 $0x108;
	_ =	swait.ge @!p0 [sflag:s8], $0x0  }
0x24: {  	s3 =	sadd.s32 $0x88, s3;
	s6 =	simm.s32 @!p1 $0x1082;
	[sflag:s4] =	ssyncset.s32 $0xFFFFF086  }
0x25: {  	[simem:s6], [sflag:s4] =	dma.local [hbm:s3], $0xF7A  }
0x26: {  	[smem:$0x3F99] =	sst s1;
	(tag) =	ssettag s2;
	_ =	strace s9  }
0x27: {  	s1 =	sld [smem:$0x3FA9]  }
0x28: {  	s2 =	sld [smem:$0x3FAA]  }
0x29: {  	s4 =	sld [smem:$0x3FAC]  }
0x2a: {  	p0 =	seq.s32 s5, $0x0;
	s5 =	sld [smem:$0x3FAD]  }
0x2b: {  	s6 =	sld [smem:$0x3FAE]  }
0x2c: {  	s7 =	sld [smem:$0x3FAF]  }
0x2d: {  	s3 =	simm.s32 $0x108;
	s8 =	sld [smem:$0x3FB0]  }
0x2e: {  	s3 =	simm.s32 @!p0 $0x1082;
	s9 =	sld [smem:$0x3FB1]  }
0x2f: {  	lr =	sadd.s32 s0, s3;
	s0 =	sld [smem:$0x3FA8]  }
0x30: {  	s3 =	sld [smem:$0x3FAB]  }
0x31: {  	[smem:$0x3FB4] =	sst s10  }
0x32: {  	s10 =	sld [smem:$0x3FB2];
	_ =	sdelay $0x3  }
0x33: {  	p0 =	seq.s32 s10, $0x1;
	s10 =	sld [smem:$0x3FB4];
	_ =	sdelay $0x3  }
0x34: {  	[smem:$0x3FB4] =	sst s10  }
0x35: {  	s10 =	sld [smem:$0x3FB3];
	_ =	sdelay $0x3  }
0x36: {  	p1 =	seq.s32 s10, $0x1;
	s10 =	sld [smem:$0x3FB4];
	_ =	sdelay $0x3  }
0x37: {  	[smem:$0x3FB4] =	sst s10  }
0x38: {  	s10 =	sld [smem:$0x3FB5]  }
0x39: {  	_ = 	snop;
	(pc) =	sbr.ind lr, $3  }
0x3a: {  	_ = 	snop  }
0x3b: {  	_ = 	snop  }
0x3c: {  	p2 =	seq.s32 s10, $0x1;
	s10 =	sld [smem:$0x3FB4]  }
0x3d: {  	_ =	shalt  }
0x3e: {  	_ =	shalt  }
0x3f: {  	_ =	shalt  }
0x40: {  	_ =	shalt  }
0x41: {  	_ =	shalt  }
0x42: {  	_ =	shalt  }
0x43: {  	_ =	shalt  }
0x44: {  	_ =	shalt  }
0x45: {  	_ =	shalt  }
0x46: {  	_ =	shalt  }
0x47: {  	_ =	shalt  }
0x48: {  	_ =	shalt  }
0x49: {  	_ =	shalt  }
0x4a: {  	_ =	shalt  }
0x4b: {  	_ =	shalt  }
0x4c: {  	_ =	shalt  }
0x4d: {  	_ =	shalt  }
0x4e: {  	_ =	shalt  }
0x4f: {  	_ =	shalt  }
0x50: {  	_ =	shalt  }
0x51: {  	_ =	shalt  }
0x52: {  	_ =	shalt  }
0x53: {  	_ =	shalt  }
0x54: {  	_ =	shalt  }
0x55: {  	_ =	shalt  }
0x56: {  	_ =	shalt  }
0x57: {  	_ =	shalt  }
0x58: {  	_ =	shalt  }
0x59: {  	_ =	shalt  }
0x5a: {  	_ =	shalt  }
0x5b: {  	_ =	shalt  }
0x5c: {  	_ =	shalt  }
0x5d: {  	_ =	shalt  }
0x5e: {  	_ =	shalt  }
0x5f: {  	_ =	shalt  }
0x60: {  	_ =	shalt  }
0x61: {  	_ =	shalt  }
0x62: {  	_ =	shalt  }
0x63: {  	_ =	shalt  }
0x64: {  	_ =	shalt  }
0x65: {  	_ =	shalt  }
0x66: {  	_ =	shalt  }
0x67: {  	_ =	shalt  }
0x68: {  	_ =	shalt  }
0x69: {  	_ =	shalt  }
0x6a: {  	_ =	shalt  }
0x6b: {  	_ =	shalt  }
0x6c: {  	_ =	shalt  }
0x6d: {  	_ =	shalt  }
0x6e: {  	_ =	shalt  }
0x6f: {  	_ =	shalt  }
0x70: {  	_ =	shalt  }
0x71: {  	_ =	shalt  }
0x72: {  	_ =	shalt  }
0x73: {  	_ =	shalt  }
0x74: {  	_ =	shalt  }
0x75: {  	_ =	shalt  }
0x76: {  	_ =	shalt  }
0x77: {  	_ =	shalt  }
0x78: {  	_ =	shalt  }
0x79: {  	_ =	shalt  }
0x7a: {  	_ =	shalt  }
0x7b: {  	_ =	shalt  }
0x7c: {  	_ =	shalt  }
0x7d: {  	_ =	shalt  }
0x7e: {  	_ =	shalt  }
0x7f: {  	_ =	shalt  }
0x80: {  	_ =	shalt  }
0x81: {  	_ =	shalt  }
0x82: {  	_ =	shalt  }
0x83: {  	_ =	shalt  }
0x84: {  	_ =	shalt  }
0x85: {  	_ =	shalt  }
0x86: {  	_ =	shalt  }
0x87: {  	_ =	shalt  }
.Lfunc_end0:
.L_simem_size_0:
called_computation.1_lowered:
.L_overlay_start_0:
0x88: {  	s2 =	sld [smem:$0x3FD9]  }
0x89: {  	s3 =	sld [smem:$0x3FFE];
	_ =	sdelay $0x1  }
0x8a: {  	s1 =	srdreg.scid  }
0x8b: {  	s0 =	sand.u32 $0x1, s1  }
0x8c: {  	s16 =	sshll.u32 s0, $0xA;
	s2 =	sadd.s32 s3, s2  }
0x8d: {  	s2 =	sadd.s32 s2, s16  }
0x8e: {  	[smem:$0x3FC0] =	sst s2  }
0x8f: {  	_ = 	snop  }
0x90: {  	(tm) =	ssettm $0x1  }
0x91: {  	s17 =	sld [smem:$0x3FFB];
	_ =	sdelay $0x3  }
0x92: {  	_ =	strace s17  }
0x93: {  	s2 =	sld [smem:$0x3FFC];
	_ =	sdelay $0x3  }
0x94: {  	_ =	strace s2  }
0x95: {  	s2 =	sld [smem:$0x3FFD];
	_ =	sdelay $0x3  }
0x96: {  	_ =	strace s2  }
0x97: {  	_ =	strace $0x8FFFFFFF  }
0x98: {  	s18 =	sld [smem:$0x3FDB];
	_ =	sdelay $0x1  }
0x99: {  	s19 =	simm.s32 $_scs_section_size  }
0x9a: {  	s4 =	simm.s32 $_size__tile_overlayer_lowered;
	s5 =	simm.s32 $_tile_overlayer_lowered  }
0x9b: {  	s22 =	simm.s32 $0x1BFF;
	s21 =	sshll.u32 s5, $0x1;
	s2 =	sadd.s32 s19, s18  }
0x9c: {  	s6 =	simm.s32 $0x0;
	s20 =	sshll.u32 s4, $0x1;
	s4 =	sadd.s32 s21, s2  }
0x9d: {  	[timem:s6], [sflag:s22] =	dma.local [hbm:s4], s20  }
0x9e: {  	_ =	swait.ge [sflag:s22], s20  }
0x9f: {  	s3 =	ssub.s32 $0x0, s20;
	[sflag:s22] =	ssyncset.done $0x0  }
0xa0: {  	[sflag:s22] =	ssyncadd.s32 s3;
	_ =	sdelay $0x1  }
0xa1: {  	s23 =	simm.s32 $0x1B8B  }
0xa2: {  	_ =	swait.ge [sflag:s23], $0x1  }
0xa3: {  	[sflag:s23] =	ssyncset.done $0x0  }
0xa4: {  	s25 =	simm.s32 $0x1B8E;
	s24 =	sld [smem:$0x3FFE];
	[sflag:s23] =	ssyncadd.s32 $0xFFFFFFFF  }
0xa5: {  	s26 =	simm.s32 $execute0_lowered;
	[smem:$0x3FD2] =	sst s25  }
0xa6: {  	s4 =	sshll.u32 s26, $0x1;
	_ =	strace $0x80000049;
	[dreg:$0x1] =	wrdreg $0xFFFFFFFF  }
0xa7: {  	s28 =	simm.s32 $_size_execute0_lowered;
	s2 =	sadd.s32 s2, s4;
	[dreg:$0x0] =	wrdreg $0x0  }
0xa8: {  	s4 =	sshll.u32 s28, $0x1;
	[dreg:$0x2] =	wrdreg s2  }
0xa9: {  	[dreg:$0x3] =	wrdreg s4  }
0xaa: {  	[dreg:$0x4] =	wrdreg $0xC0  }
0xab: {  	_ =	task [dreg:s6], $0x5FFFF  }
0xac: {  	[dreg:$0x1] =	wrdreg $0xFFFFFFFF  }
0xad: {  	[dreg:$0x0] =	wrdreg $0x60  }
0xae: {  	[dreg:$0x2] =	wrdreg s24  }
0xaf: {  	[dreg:$0x3] =	wrdreg $0x9  }
0xb0: {  	_ =	task.clear_ibuf [dreg:s6], $0x4FFFF;
	_ =	strace $0x90000049  }
0xb1: {  	s29 =	simm.s32 $0x9;
	_ =	strace $0x8000004B  }
0xb2: {  	_ =	swait.ge [sflag:s29], $0x1  }
0xb3: {  	[sflag:s29] =	ssyncadd.s32 $0xFFFFFFFF  }
0xb4: {  	_ =	strace $0x9000004B  }
0xb5: {  	_ =	sfence  }
0xb6: {  	s30 =	sld [smem:$0x0];
	_ =	sdelay $0x2  }
0xb7: {  	s31 =	sshll.u32 s1, $0xD;
	s1 =	sshrl.u32 s1, $0x2  }
0xb8: {  	s3 =	sand.u32 $0x4000, s31;
	s1 =	sadd.s32 s1, s30  }
0xb9: {  	s0 =	sor.u32 s3, s0;
	s1 =	sshll.u32 s1, $0x11  }
0xba: {  	s0 =	sor.u32 s1, s0  }
0xbb: {  	s0 =	sadd.s32 $0x8F2B, s0  }
0xbc: {  	[sflag:s0] =	ssyncadd.remote.s32 $0x1  }
0xbd: {  	_ =	sfence.sel $0xFFFF  }
0xbe: {  	[dreg:$0x0] =	wrdreg $0xFFFFFFFF;
	(pc) =	sbr.abs _section_cstart, $3  }
0xbf: {  	[dreg:$0x1] =	wrdreg $0xFFFFFFFF  }
0xc0: {  	_ =	task.clear_ibuf [dreg:s6], $0x2FFFF;
	_ =	strace $0x9FFFFFFF  }
0xc1: {  	(tm) =	ssettm $0x7FFFFFFF  }
tec
execute0_lowered:
.L_overlay_start_1:
0x0: {  	(tag) =	ssettag $0x1  }
0x1: {  	v0 =	vlaneseq.u32  }
0x2: {  	v0 =	vmul.u32 $0x90, v0;
	_ =	sdelay $0x1  }
0x3: {  	v1 =	vor.u32 $0x1, v0;
	v2 =	vor.u32 $0x2, v0  }
0x4: {  	s7 =	rddreg [dreg:$0x0];
	v3 =	vor.u32 $0x3, v0;
	v4 =	vor.u32 $0x4, v0;
	v5 =	vor.u32 $0x5, v0  }
0x5: {  	s0 =	rddreg [dreg:$0x1];
	s1 =	simm.s32 $0x0;
	s4 =	stileid.u32;
	v6 =	vor.u32 $0x6, v0;
	v7 =	vor.u32 $0x7, v0;
	v8 =	vadd.s32 $0x80, v0  }
0x6: {  	s8 =	srdreg.scid;
	s12 =	simm.s32 $0xA0;
	s13 =	simm.s32 $0x2DA0;
	v9 =	vadd.s32 $0x900, v0;
	v10 =	vadd.s32 $0x901, v0;
	v11 =	vadd.s32 $0x902, v0  }
0x7: {  	s14 =	simm.s32 $0x1;
	s15 =	simm.s32 $0x5AA0;
	s16 =	simm.s32 $0x0;
	v12 =	vadd.s32 $0x903, v0;
	v13 =	vadd.s32 $0x904, v0;
	v14 =	vadd.s32 $0x905, v0  }
0x8: {  	[smem:$0x7FF] =	sst s1;
	s2 =	sadd.s32 $0x1C00, s7;
	s3 =	sadd.s32 $0x4FE00, s7;
	v15 =	vadd.s32 $0x906, v0;
	v16 =	vadd.s32 $0x907, v0;
	v18 =	vadd.s32 $0x1200, v0  }
0x9: {  	s5 =	sadd.s32 $0xAFC00, s7;
	s6 =	sadd.s32 $0x9C200, s7;
	s9 =	sshll.u32 s4, $0x1;
	v19 =	vadd.s32 $0x1201, v0;
	v20 =	vadd.s32 $0x1202, v0;
	v21 =	vadd.s32 $0x1203, v0  }
0xa: {  	s8 =	sand.u32 $0x1, s8;
	_ =	strace $0x8000004A;
	s9 =	sadd.s32 s9, s7;
	v22 =	vadd.s32 $0x1204, v0;
	v23 =	vadd.s32 $0x1205, v0;
	v24 =	vadd.s32 $0x1206, v0  }
0xb: {  	s31 =	ssub.s32 $0x2, s8;
	s10 =	sshll.u32 s8, $0x4;
	s8 =	sshll.u32 s8, $0x5;
	v25 =	vadd.s32 $0x1207, v0;
	v27 =	vadd.s32 $0x1B00, v0;
	[tilespmem:$0x1FFC0] =	vst v8;
	v8 =	vadd.s32 $0x980, v0  }
0xc: {  	s11 =	sshrl.u32 s31, $0x1;
	s10 =	sor.u32 s4, s10;
	s8 =	sadd.s32 s8, s9;
	v28 =	vadd.s32 $0x1B01, v0;
	v29 =	vadd.s32 $0x1B02, v0;
	[tilespmem:$0x1FFD0] =	vst v8;
	v8 =	vadd.s32 $0x1280, v0  }
0xd: {  	v30 =	vadd.s32 $0x1B03, v0;
	v31 =	vadd.s32 $0x1B04, v0;
	s11 =	ssub.s32 s31, s11;
	s7 =	smul.u32 $0x2710, s10;
	s8 =	sadd.s32 $0x7BE00, s8;
	[tilespmem:$0x1FFE0] =	vst v8;
	v8 =	vadd.s32 $0x1B80, v0  }
0xe: {  	v32 =	vadd.s32 $0x1B05, v0;
	v33 =	vadd.s32 $0x1B06, v0;
	v34 =	vadd.s32 $0x1B07, v0;
	s10 =	simm.s32 $0x2;
	s9 =	smax.u32 s11, $0x1;
	s11 =	simm.s32 $0x50;
	[tilespmem:$0x1FFF0] =	vst v8  }
.LBB2_1:
0xf: {  	v8 =	vimm.f32 $0.0e+00;
	s17 =	simm.s32 $0x0  }
.LBB2_2:
0x10: {  	s18 =	smul.u32 $0x50, s17;
	_ =	sdelay $0x1  }
0x11: {  	s18 =	sadd.s32 s7, s18  }
0x12: {  	s18 =	sshrl.u32 s18, $0x3  }
0x13: {  	[tilespmem:$0x1FFB0] =	vst v8;
	s18 =	sadd.s32 s5, s18  }
0x14: {  	[tilespmem:s1], [sflag:$0x2] =	stream.linear.gather [hbm4b:s18+s1], $0x50, $0x38;
	[tilespmem:$0x5AB0] =	vst v63  }
0x15: {  	_ =	swait.ge [sflag:s10], $0x50  }
0x16: {  	[sflag:s10] =	ssyncset.done $0x0  }
0x17: {  	s18 =	sadd.s32 $0x9C40, s18;
	[sflag:s10] =	ssyncadd.s32 $0xFFFFFFB0  }
0x18: {  	[tilespmem:s11], [sflag:$0x2] =	stream.linear.gather [hbm4b:s18+s1], $0x50, $0x38;
	[tilespmem:$0x5AB0] =	vst v63  }
0x19: {  	_ =	swait.ge [sflag:s10], $0x50  }
0x1a: {  	[sflag:s10] =	ssyncset.done $0x0  }
0x1b: {  	[sflag:s10] =	ssyncadd.s32 $0xFFFFFFB0  }
0x1c: {  	[tilespmem:s12], [sflag:$0x1] =	stream.indirect.gather [hbm4b:s2+s11], $0x90, s1, s11, $0xb8;
	[tilespmem:$0x5AB0] =	vst v63  }
0x1d: {  	_ = 	snop  }
0x1e: {  	[tilespmem:s13], [sflag:$0x1] =	stream.indirect.gather [hbm4b:s3+s11], $0x90, s11, s11, $0xb8;
	[tilespmem:$0x5AB0] =	vst v63  }
0x1f: {  	s18 =	simm.s32 $0x0;
	_ =	swait.ge [sflag:s14], $0x2D00  }
0x20: {  	v8 =	vmov s18;
	v17 =	vadd.s32 s18, v0;
	[sflag:s14] =	ssyncset.done $0x0  }
0x21: {  	v8 =	vand.u32 $0x78, v8;
	[sflag:s14] =	ssyncadd.s32 $0xFFFFD300  }
0x22: {  	v35 =	vadd.s32 s18, v1;
	v36 =	vbroadcast v8, $0x0;
	_ =	swait.ge [sflag:s14], $0x2D00  }
0x23: {  	[sflag:s14] =	ssyncset.done $0x0  }
0x24: {  	v37 =	vadd.s32 v6, v36;
	[sflag:s14] =	ssyncadd.s32 $0xFFFFD300  }
0x25: {  	v8 =	vld.idx.msk [tilespmem:v17+s12+$0x0], $0xffff  }
0x26: {  	v41 =	vadd.s32 v4, v36;
	v17 =	vld.idx.msk [tilespmem:v17+s13+$0x0], $0xffff  }
0x27: {  	v26 =	vld.idx.msk [tilespmem:v35+s12+$0x0], $0xffff  }
0x28: {  	v42 =	vadd.s32 v2, v36;
	v40 =	vld.idx.msk [tilespmem:v35+s13+$0x0], $0xffff  }
0x29: {  	v38 =	vld.idx.msk [tilespmem:v37+s12+$0x0], $0xffff  }
0x2a: {  	v45 =	vadd.s32 v3, v36;
	v39 =	vld.idx.msk [tilespmem:v37+s13+$0x0], $0xffff  }
0x2b: {  	v37 =	vld.idx.msk [tilespmem:v41+s12+$0x0], $0xffff  }
0x2c: {  	v47 =	vadd.s32 v5, v36;
	v35 =	vld.idx.msk [tilespmem:v41+s13+$0x0], $0xffff  }
0x2d: {  	v43 =	vld.idx.msk [tilespmem:v42+s12+$0x0], $0xffff  }
0x2e: {  	v46 =	vadd.s32 v7, v36;
	v44 =	vld.idx.msk [tilespmem:v42+s13+$0x0], $0xffff;
	v41 =	vimm.f32 $0.0e+00;
	v42 =	vimm.f32 $0.0e+00  }
.LBB2_3:
0x2f: {  	s18 =	sadd.s32 $0x8, s18;
	v36 =	vld.idx.msk [tilespmem:v45+s12+$0x0], $0xffff  }
0x30: {  	v48 =	vmov s18;
	v49 =	vadd.s32 s18, v0;
	p0 =	slt.u32 s18, $0x78;
	v45 =	vld.idx.msk [tilespmem:v45+s13+$0x0], $0xffff  }
0x31: {  	v48 =	vand.u32 $0x78, v48;
	v50 =	vld.idx.msk [tilespmem:v47+s12+$0x0], $0xffff  }
0x32: {  	v51 =	vadd.s32 s18, v1;
	v48 =	vbroadcast v48, $0x0;
	v47 =	vld.idx.msk [tilespmem:v47+s13+$0x0], $0xffff  }
0x33: {  	v52 =	vld.idx.msk [tilespmem:v46+s12+$0x0], $0xffff  }
0x34: {  	v54 =	vmul.f32 v17, v8;
	v26 =	vmul.f32 v40, v26;
	v53 =	vadd.s32 v6, v48;
	v46 =	vld.idx.msk [tilespmem:v46+s13+$0x0], $0xffff  }
0x35: {  	v43 =	vmul.f32 v44, v43;
	v55 =	vadd.s32 v4, v48;
	v8 =	vld.idx.msk [tilespmem:v49+s12+$0x0], $0xffff  }
0x36: {  	v41 =	vadd.f32 v54, v41;
	v42 =	vadd.f32 v26, v42;
	v36 =	vmul.f32 v45, v36;
	v17 =	vld.idx.msk [tilespmem:v49+s13+$0x0], $0xffff  }
0x37: {  	v35 =	vmul.f32 v35, v37;
	v44 =	vadd.s32 v2, v48;
	v26 =	vld.idx.msk [tilespmem:v51+s12+$0x0], $0xffff  }
0x38: {  	v37 =	vadd.f32 v43, v41;
	v36 =	vadd.f32 v36, v42;
	v41 =	vmul.f32 v47, v50;
	v40 =	vld.idx.msk [tilespmem:v51+s13+$0x0], $0xffff  }
0x39: {  	v45 =	vadd.s32 v3, v48;
	v42 =	vmul.f32 v39, v38;
	v38 =	vld.idx.msk [tilespmem:v53+s12+$0x0], $0xffff  }
.Ltmp0:
0x3a: {  	v43 =	vadd.f32 v35, v37;
	v36 =	vadd.f32 v41, v36;
	v46 =	vmul.f32 v46, v52;
	v39 =	vld.idx.msk [tilespmem:v53+s13+$0x0], $0xffff;
	(pc) =	sbr.rel @p0 .LBB2_3-.Ltmp0, $4  }
0x3b: {  	v37 =	vld.idx.msk [tilespmem:v55+s12+$0x0], $0xffff  }
0x3c: {  	v47 =	vadd.s32 v5, v48;
	v41 =	vadd.f32 v42, v43;
	v42 =	vadd.f32 v46, v36;
	v35 =	vld.idx.msk [tilespmem:v55+s13+$0x0], $0xffff  }
0x3d: {  	v43 =	vld.idx.msk [tilespmem:v44+s12+$0x0], $0xffff  }
0x3e: {  	v46 =	vadd.s32 v7, v48;
	v44 =	vld.idx.msk [tilespmem:v44+s13+$0x0], $0xffff  }
0x3f: {  	v53 =	vld [tilespmem:$0x1FFC0];
	_ =	sdelay $0x5  }
0x40: {  	v36 =	vld.idx.msk [tilespmem:v45+s12+$0x0], $0xffff  }
0x41: {  	v61 =	vld.idx.msk [tilespmem:v45+s13+$0x0], $0xffff  }
0x42: {  	v8 =	vmul.f32 v17, v8;
	v17 =	vld.idx.msk [tilespmem:v53+s13+$0x0], $0xffff  }
0x43: {  	v48 =	vld.idx.msk [tilespmem:v47+s12+$0x0], $0xffff;
	s18 =	simm.s32 $0x0  }
0x44: {  	v49 =	vmov s18;
	v54 =	vld.idx.msk [tilespmem:v53+s12+$0x0], $0xffff  }
0x45: {  	v62 =	vld.idx.msk [tilespmem:v47+s13+$0x0], $0xffff;
	v50 =	vadd.s32 s18, v9;
	v49 =	vand.u32 $0x78, v49  }
0x46: {  	v51 =	vld.idx.msk [tilespmem:v46+s12+$0x0], $0xffff;
	v49 =	vbroadcast v49, $0x0  }
0x47: {  	v63 =	vld.idx.msk [tilespmem:v46+s13+$0x0], $0xffff;
	v52 =	vadd.s32 s18, v10;
	[tilespmem:$0x1FF80] =	vst v17;
	v17 =	vmul.f32 v40, v26  }
0x48: {  	v57 =	vadd.f32 v8, v41;
	v56 =	vadd.s32 v15, v49;
	v26 =	vmul.f32 v44, v43  }
0x49: {  	v36 =	vmul.f32 v61, v36;
	[tilespmem:$0x1FF70] =	vst v54;
	v42 =	vadd.f32 v17, v42  }
0x4a: {  	v35 =	vmul.f32 v35, v37;
	v58 =	vadd.s32 v13, v49;
	v40 =	vld.idx.msk [tilespmem:v50+s12+$0x0], $0xffff;
	v26 =	vadd.f32 v26, v57  }
0x4b: {  	v60 =	vmul.f32 v62, v48;
	v41 =	vld.idx.msk [tilespmem:v50+s13+$0x0], $0xffff;
	v36 =	vadd.f32 v36, v42  }
0x4c: {  	v61 =	vmul.f32 v39, v38;
	v8 =	vld.idx.msk [tilespmem:v52+s12+$0x0], $0xffff;
	v26 =	vadd.f32 v35, v26  }
0x4d: {  	v59 =	vadd.s32 v11, v49;
	v63 =	vmul.f32 v63, v51;
	v37 =	vld.idx.msk [tilespmem:v56+s12+$0x0], $0xffff;
	v62 =	vadd.f32 v60, v36  }
0x4e: {  	v39 =	vld.idx.msk [tilespmem:v56+s13+$0x0], $0xffff;
	v26 =	vadd.f32 v61, v26  }
0x4f: {  	v45 =	vadd.s32 v12, v49;
	v38 =	vld.idx.msk [tilespmem:v58+s12+$0x0], $0xffff;
	v35 =	vadd.f32 v63, v62  }
0x50: {  	v17 =	vld.idx.msk [tilespmem:v52+s13+$0x0], $0xffff;
	[tilespmem:$0x1FF90] =	vst v26  }
0x51: {  	v47 =	vadd.s32 v14, v49;
	v26 =	vld.idx.msk [tilespmem:v58+s13+$0x0], $0xffff;
	[tilespmem:$0x1FFA0] =	vst v35  }
0x52: {  	v43 =	vld.idx.msk [tilespmem:v59+s12+$0x0], $0xffff  }
0x53: {  	v46 =	vadd.s32 v16, v49;
	v42 =	vimm.f32 $0.0e+00;
	v35 =	vimm.f32 $0.0e+00;
	v44 =	vld.idx.msk [tilespmem:v59+s13+$0x0], $0xffff  }
.LBB2_5:
0x54: {  	s18 =	sadd.s32 $0x8, s18;
	v36 =	vld.idx.msk [tilespmem:v45+s12+$0x0], $0xffff  }
0x55: {  	v48 =	vmov s18;
	v49 =	vadd.s32 s18, v9;
	p0 =	slt.u32 s18, $0x78;
	v45 =	vld.idx.msk [tilespmem:v45+s13+$0x0], $0xffff  }
0x56: {  	v48 =	vand.u32 $0x78, v48;
	v50 =	vld.idx.msk [tilespmem:v47+s12+$0x0], $0xffff  }
0x57: {  	v51 =	vadd.s32 s18, v10;
	v48 =	vbroadcast v48, $0x0;
	v47 =	vld.idx.msk [tilespmem:v47+s13+$0x0], $0xffff  }
0x58: {  	v52 =	vld.idx.msk [tilespmem:v46+s12+$0x0], $0xffff  }
0x59: {  	v54 =	vmul.f32 v41, v40;
	v8 =	vmul.f32 v17, v8;
	v53 =	vadd.s32 v15, v48;
	v46 =	vld.idx.msk [tilespmem:v46+s13+$0x0], $0xffff  }
0x5a: {  	v43 =	vmul.f32 v44, v43;
	v55 =	vadd.s32 v13, v48;
	v40 =	vld.idx.msk [tilespmem:v49+s12+$0x0], $0xffff  }
0x5b: {  	v35 =	vadd.f32 v54, v35;
	v42 =	vadd.f32 v8, v42;
	v36 =	vmul.f32 v45, v36;
	v41 =	vld.idx.msk [tilespmem:v49+s13+$0x0], $0xffff  }
0x5c: {  	v26 =	vmul.f32 v26, v38;
	v44 =	vadd.s32 v11, v48;
	v8 =	vld.idx.msk [tilespmem:v51+s12+$0x0], $0xffff  }
0x5d: {  	v35 =	vadd.f32 v43, v35;
	v36 =	vadd.f32 v36, v42;
	v38 =	vmul.f32 v47, v50;
	v17 =	vld.idx.msk [tilespmem:v51+s13+$0x0], $0xffff  }
0x5e: {  	v45 =	vadd.s32 v12, v48;
	v42 =	vmul.f32 v39, v37;
	v37 =	vld.idx.msk [tilespmem:v53+s12+$0x0], $0xffff  }
.Ltmp1:
0x5f: {  	v35 =	vadd.f32 v26, v35;
	v36 =	vadd.f32 v38, v36;
	v43 =	vmul.f32 v46, v52;
	v39 =	vld.idx.msk [tilespmem:v53+s13+$0x0], $0xffff;
	(pc) =	sbr.rel @p0 .LBB2_5-.Ltmp1, $4  }
0x60: {  	v38 =	vld.idx.msk [tilespmem:v55+s12+$0x0], $0xffff  }
0x61: {  	v47 =	vadd.s32 v14, v48;
	v35 =	vadd.f32 v42, v35;
	v42 =	vadd.f32 v43, v36;
	v26 =	vld.idx.msk [tilespmem:v55+s13+$0x0], $0xffff  }
0x62: {  	v43 =	vld.idx.msk [tilespmem:v44+s12+$0x0], $0xffff  }
0x63: {  	v46 =	vadd.s32 v16, v48;
	v44 =	vld.idx.msk [tilespmem:v44+s13+$0x0], $0xffff  }
0x64: {  	v53 =	vld [tilespmem:$0x1FFD0];
	_ =	sdelay $0x5  }
0x65: {  	v36 =	vld.idx.msk [tilespmem:v45+s12+$0x0], $0xffff  }
0x66: {  	v61 =	vld.idx.msk [tilespmem:v45+s13+$0x0], $0xffff  }
0x67: {  	v54 =	vld.idx.msk [tilespmem:v53+s12+$0x0], $0xffff  }
0x68: {  	s18 =	simm.s32 $0x0;
	v57 =	vld.idx.msk [tilespmem:v53+s13+$0x0], $0xffff  }
0x69: {  	v48 =	vld.idx.msk [tilespmem:v47+s12+$0x0], $0xffff;
	v49 =	vmov s18;
	v50 =	vadd.s32 s18, v18  }
0x6a: {  	v62 =	vld.idx.msk [tilespmem:v47+s13+$0x0], $0xffff;
	v41 =	vmul.f32 v41, v40;
	v49 =	vand.u32 $0x78, v49  }
0x6b: {  	v51 =	vld.idx.msk [tilespmem:v46+s12+$0x0], $0xffff;
	v8 =	vmul.f32 v17, v8;
	v52 =	vadd.s32 s18, v19;
	v49 =	vbroadcast v49, $0x0  }
0x6c: {  	v63 =	vld.idx.msk [tilespmem:v46+s13+$0x0], $0xffff;
	v35 =	vadd.f32 v41, v35;
	v17 =	vmul.f32 v44, v43;
	[tilespmem:$0x1FF30] =	vst v54  }
0x6d: {  	v42 =	vadd.f32 v8, v42;
	v58 =	vadd.s32 v24, v49;
	v36 =	vmul.f32 v61, v36;
	[tilespmem:$0x1FF40] =	vst v57  }
0x6e: {  	v26 =	vmul.f32 v26, v38;
	v35 =	vadd.f32 v17, v35;
	v40 =	vld.idx.msk [tilespmem:v50+s12+$0x0], $0xffff  }
0x6f: {  	v59 =	vadd.s32 v22, v49;
	v61 =	vmul.f32 v62, v48;
	v36 =	vadd.f32 v36, v42;
	v41 =	vld.idx.msk [tilespmem:v50+s13+$0x0], $0xffff  }
0x70: {  	v39 =	vmul.f32 v39, v37;
	v26 =	vadd.f32 v26, v35;
	v8 =	vld.idx.msk [tilespmem:v52+s12+$0x0], $0xffff  }
0x71: {  	v60 =	vadd.s32 v20, v49;
	v63 =	vmul.f32 v63, v51;
	v62 =	vadd.f32 v61, v36;
	v17 =	vld.idx.msk [tilespmem:v52+s13+$0x0], $0xffff  }
0x72: {  	v26 =	vadd.f32 v39, v26;
	v38 =	vld.idx.msk [tilespmem:v58+s12+$0x0], $0xffff  }
0x73: {  	v39 =	vadd.s32 v21, v49;
	v35 =	vadd.f32 v63, v62;
	v37 =	vld.idx.msk [tilespmem:v58+s13+$0x0], $0xffff  }
0x74: {  	v42 =	vld.idx.msk [tilespmem:v59+s12+$0x0], $0xffff;
	[tilespmem:$0x1FF50] =	vst v26  }
0x75: {  	v47 =	vadd.s32 v23, v49;
	v26 =	vld.idx.msk [tilespmem:v59+s13+$0x0], $0xffff;
	[tilespmem:$0x1FF60] =	vst v35  }
0x76: {  	v44 =	vld.idx.msk [tilespmem:v60+s12+$0x0], $0xffff  }
0x77: {  	v43 =	vimm.f32 $0.0e+00;
	v46 =	vadd.s32 v25, v49;
	v35 =	vimm.f32 $0.0e+00;
	v45 =	vld.idx.msk [tilespmem:v60+s13+$0x0], $0xffff  }
.LBB2_7:
0x78: {  	s18 =	sadd.s32 $0x8, s18;
	v36 =	vld.idx.msk [tilespmem:v39+s12+$0x0], $0xffff  }
0x79: {  	v48 =	vmov s18;
	v49 =	vadd.s32 s18, v18;
	p0 =	slt.u32 s18, $0x78;
	v39 =	vld.idx.msk [tilespmem:v39+s13+$0x0], $0xffff  }
0x7a: {  	v48 =	vand.u32 $0x78, v48;
	v50 =	vld.idx.msk [tilespmem:v47+s12+$0x0], $0xffff  }
0x7b: {  	v51 =	vadd.s32 s18, v19;
	v48 =	vbroadcast v48, $0x0;
	v47 =	vld.idx.msk [tilespmem:v47+s13+$0x0], $0xffff  }
0x7c: {  	v52 =	vld.idx.msk [tilespmem:v46+s12+$0x0], $0xffff  }
0x7d: {  	v54 =	vmul.f32 v41, v40;
	v8 =	vmul.f32 v17, v8;
	v53 =	vadd.s32 v24, v48;
	v46 =	vld.idx.msk [tilespmem:v46+s13+$0x0], $0xffff  }
0x7e: {  	v44 =	vmul.f32 v45, v44;
	v55 =	vadd.s32 v22, v48;
	v40 =	vld.idx.msk [tilespmem:v49+s12+$0x0], $0xffff  }
0x7f: {  	v35 =	vadd.f32 v54, v35;
	v43 =	vadd.f32 v8, v43;
	v36 =	vmul.f32 v39, v36;
	v41 =	vld.idx.msk [tilespmem:v49+s13+$0x0], $0xffff  }
0x80: {  	v26 =	vmul.f32 v26, v42;
	v45 =	vadd.s32 v20, v48;
	v8 =	vld.idx.msk [tilespmem:v51+s12+$0x0], $0xffff  }
0x81: {  	v35 =	vadd.f32 v44, v35;
	v36 =	vadd.f32 v36, v43;
	v42 =	vmul.f32 v47, v50;
	v17 =	vld.idx.msk [tilespmem:v51+s13+$0x0], $0xffff  }
0x82: {  	v39 =	vadd.s32 v21, v48;
	v43 =	vmul.f32 v37, v38;
	v38 =	vld.idx.msk [tilespmem:v53+s12+$0x0], $0xffff  }
.Ltmp2:
0x83: {  	v35 =	vadd.f32 v26, v35;
	v36 =	vadd.f32 v42, v36;
	v44 =	vmul.f32 v46, v52;
	v37 =	vld.idx.msk [tilespmem:v53+s13+$0x0], $0xffff;
	(pc) =	sbr.rel @p0 .LBB2_7-.Ltmp2, $4  }
0x84: {  	v42 =	vld.idx.msk [tilespmem:v55+s12+$0x0], $0xffff  }
0x85: {  	v47 =	vadd.s32 v23, v48;
	v35 =	vadd.f32 v43, v35;
	v43 =	vadd.f32 v44, v36;
	v26 =	vld.idx.msk [tilespmem:v55+s13+$0x0], $0xffff  }
0x86: {  	v44 =	vld.idx.msk [tilespmem:v45+s12+$0x0], $0xffff  }
0x87: {  	v46 =	vadd.s32 v25, v48;
	v45 =	vld.idx.msk [tilespmem:v45+s13+$0x0], $0xffff  }
0x88: {  	v58 =	vld [tilespmem:$0x1FFE0];
	_ =	sdelay $0x5  }
0x89: {  	v36 =	vld.idx.msk [tilespmem:v39+s12+$0x0], $0xffff;
	s18 =	simm.s32 $0x0  }
0x8a: {  	v48 =	vld.idx.msk [tilespmem:v39+s13+$0x0], $0xffff;
	v62 =	vmov s18  }
0x8b: {  	v39 =	vand.u32 $0x78, v62;
	v53 =	vld.idx.msk [tilespmem:v58+s12+$0x0], $0xffff  }
0x8c: {  	v57 =	vbroadcast v39, $0x0;
	v39 =	vld.idx.msk [tilespmem:v58+s13+$0x0], $0xffff  }
0x8d: {  	v49 =	vld.idx.msk [tilespmem:v47+s12+$0x0], $0xffff;
	v50 =	vadd.s32 s18, v27  }
0x8e: {  	v47 =	vld.idx.msk [tilespmem:v47+s13+$0x0], $0xffff;
	v40 =	vmul.f32 v41, v40  }
0x8f: {  	v51 =	vld.idx.msk [tilespmem:v46+s12+$0x0], $0xffff;
	v8 =	vmul.f32 v17, v8;
	v52 =	vadd.s32 s18, v28  }
0x90: {  	v63 =	vld.idx.msk [tilespmem:v46+s13+$0x0], $0xffff;
	v35 =	vadd.f32 v40, v35;
	v17 =	vmul.f32 v45, v44;
	[tilespmem:$0x1FEF0] =	vst v53  }
0x91: {  	v43 =	vadd.f32 v8, v43;
	v59 =	vadd.s32 v33, v57;
	v36 =	vmul.f32 v48, v36;
	[tilespmem:$0x1FF00] =	vst v39  }
0x92: {  	v26 =	vmul.f32 v26, v42;
	v35 =	vadd.f32 v17, v35;
	v39 =	vld.idx.msk [tilespmem:v50+s12+$0x0], $0xffff  }
0x93: {  	v60 =	vadd.s32 v31, v57;
	v47 =	vmul.f32 v47, v49;
	v36 =	vadd.f32 v36, v43;
	v40 =	vld.idx.msk [tilespmem:v50+s13+$0x0], $0xffff  }
0x94: {  	v37 =	vmul.f32 v37, v38;
	v26 =	vadd.f32 v26, v35;
	v8 =	vld.idx.msk [tilespmem:v52+s12+$0x0], $0xffff  }
0x95: {  	v61 =	vadd.s32 v29, v57;
	v63 =	vmul.f32 v63, v51;
	v62 =	vadd.f32 v47, v36;
	v17 =	vld.idx.msk [tilespmem:v52+s13+$0x0], $0xffff  }
0x96: {  	v26 =	vadd.f32 v37, v26;
	v42 =	vld.idx.msk [tilespmem:v59+s12+$0x0], $0xffff  }
0x97: {  	v37 =	vadd.s32 v30, v57;
	v35 =	vadd.f32 v63, v62;
	v43 =	vld.idx.msk [tilespmem:v59+s13+$0x0], $0xffff  }
0x98: {  	v41 =	vld.idx.msk [tilespmem:v60+s12+$0x0], $0xffff;
	[tilespmem:$0x1FF10] =	vst v26  }
0x99: {  	v38 =	vadd.s32 v32, v57;
	v26 =	vld.idx.msk [tilespmem:v60+s13+$0x0], $0xffff;
	[tilespmem:$0x1FF20] =	vst v35  }
0x9a: {  	v46 =	vld.idx.msk [tilespmem:v61+s12+$0x0], $0xffff  }
0x9b: {  	v44 =	vimm.f32 $0.0e+00;
	v47 =	vadd.s32 v34, v57;
	v35 =	vimm.f32 $0.0e+00;
	v45 =	vld.idx.msk [tilespmem:v61+s13+$0x0], $0xffff  }
.LBB2_9:
0x9c: {  	s18 =	sadd.s32 $0x8, s18;
	v36 =	vld.idx.msk [tilespmem:v37+s12+$0x0], $0xffff  }
0x9d: {  	v48 =	vmov s18;
	v49 =	vadd.s32 s18, v27;
	p0 =	slt.u32 s18, $0x78;
	v37 =	vld.idx.msk [tilespmem:v37+s13+$0x0], $0xffff  }
0x9e: {  	v48 =	vand.u32 $0x78, v48;
	v50 =	vld.idx.msk [tilespmem:v38+s12+$0x0], $0xffff  }
0x9f: {  	v51 =	vadd.s32 s18, v28;
	v48 =	vbroadcast v48, $0x0;
	v38 =	vld.idx.msk [tilespmem:v38+s13+$0x0], $0xffff  }
0xa0: {  	v52 =	vld.idx.msk [tilespmem:v47+s12+$0x0], $0xffff  }
0xa1: {  	v58 =	vmul.f32 v40, v39;
	v8 =	vmul.f32 v17, v8;
	v57 =	vadd.s32 v33, v48;
	v47 =	vld.idx.msk [tilespmem:v47+s13+$0x0], $0xffff  }
0xa2: {  	v45 =	vmul.f32 v45, v46;
	v59 =	vadd.s32 v31, v48;
	v39 =	vld.idx.msk [tilespmem:v49+s12+$0x0], $0xffff  }
0xa3: {  	v35 =	vadd.f32 v58, v35;
	v44 =	vadd.f32 v8, v44;
	v36 =	vmul.f32 v37, v36;
	v40 =	vld.idx.msk [tilespmem:v49+s13+$0x0], $0xffff  }
0xa4: {  	v26 =	vmul.f32 v26, v41;
	v49 =	vadd.s32 v29, v48;
	v8 =	vld.idx.msk [tilespmem:v51+s12+$0x0], $0xffff  }
0xa5: {  	v35 =	vadd.f32 v45, v35;
	v36 =	vadd.f32 v36, v44;
	v38 =	vmul.f32 v38, v50;
	v17 =	vld.idx.msk [tilespmem:v51+s13+$0x0], $0xffff  }
0xa6: {  	v37 =	vadd.s32 v30, v48;
	v44 =	vmul.f32 v43, v42;
	v42 =	vld.idx.msk [tilespmem:v57+s12+$0x0], $0xffff  }
.Ltmp3:
0xa7: {  	v35 =	vadd.f32 v26, v35;
	v36 =	vadd.f32 v38, v36;
	v45 =	vmul.f32 v47, v52;
	v43 =	vld.idx.msk [tilespmem:v57+s13+$0x0], $0xffff;
	(pc) =	sbr.rel @p0 .LBB2_9-.Ltmp3, $4  }
0xa8: {  	v41 =	vld.idx.msk [tilespmem:v59+s12+$0x0], $0xffff  }
0xa9: {  	v38 =	vadd.s32 v32, v48;
	v35 =	vadd.f32 v44, v35;
	v44 =	vadd.f32 v45, v36;
	v26 =	vld.idx.msk [tilespmem:v59+s13+$0x0], $0xffff  }
0xaa: {  	v46 =	vld.idx.msk [tilespmem:v49+s12+$0x0], $0xffff  }
0xab: {  	v47 =	vadd.s32 v34, v48;
	v45 =	vld.idx.msk [tilespmem:v49+s13+$0x0], $0xffff  }
0xac: {  	v53 =	vld [tilespmem:$0x1FFF0];
	_ =	sdelay $0x5  }
0xad: {  	v36 =	vld.idx.msk [tilespmem:v37+s12+$0x0], $0xffff  }
0xae: {  	v48 =	vld.idx.msk [tilespmem:v37+s13+$0x0], $0xffff  }
0xaf: {  	v8 =	vmul.f32 v17, v8;
	v17 =	vld.idx.msk [tilespmem:v53+s13+$0x0], $0xffff  }
0xb0: {  	v49 =	vld.idx.msk [tilespmem:v38+s12+$0x0], $0xffff;
	s18 =	simm.s32 $0x0  }
0xb1: {  	v37 =	vadd.s32 $0x2400, v0;
	v51 =	vmov s18;
	v54 =	vld.idx.msk [tilespmem:v53+s12+$0x0], $0xffff  }
0xb2: {  	v50 =	vld.idx.msk [tilespmem:v38+s13+$0x0], $0xffff;
	v40 =	vmul.f32 v40, v39;
	v52 =	vadd.s32 s18, v37;
	v51 =	vand.u32 $0x78, v51  }
0xb3: {  	v59 =	vld.idx.msk [tilespmem:v47+s12+$0x0], $0xffff;
	v38 =	vadd.s32 $0x2401, v0;
	v39 =	vadd.s32 $0x2406, v0;
	v51 =	vbroadcast v51, $0x0  }
0xb4: {  	v47 =	vld.idx.msk [tilespmem:v47+s13+$0x0], $0xffff;
	v60 =	vadd.s32 s18, v38;
	v35 =	vadd.f32 v40, v35;
	[tilespmem:$0x1FEC0] =	vst v17;
	v17 =	vmul.f32 v45, v46  }
0xb5: {  	v44 =	vadd.f32 v8, v44;
	v63 =	vadd.s32 v39, v51;
	v36 =	vmul.f32 v48, v36  }
0xb6: {  	v56 =	vmul.f32 v26, v41;
	[tilespmem:$0x1FEB0] =	vst v54;
	v35 =	vadd.f32 v17, v35  }
0xb7: {  	v40 =	vadd.s32 $0x2404, v0;
	v57 =	vmul.f32 v50, v49;
	v36 =	vadd.f32 v36, v44;
	v62 =	vld.idx.msk [tilespmem:v52+s12+$0x0], $0xffff  }
0xb8: {  	v42 =	vmul.f32 v43, v42;
	v55 =	vadd.s32 v40, v51;
	v8 =	vld.idx.msk [tilespmem:v52+s13+$0x0], $0xffff;
	v35 =	vadd.f32 v56, v35  }
0xb9: {  	v41 =	vadd.s32 $0x2402, v0;
	v59 =	vmul.f32 v47, v59;
	v36 =	vadd.f32 v57, v36;
	v26 =	vld.idx.msk [tilespmem:v60+s13+$0x0], $0xffff  }
0xba: {  	v58 =	vadd.s32 v41, v51;
	v61 =	vld.idx.msk [tilespmem:v63+s12+$0x0], $0xffff;
	v35 =	vadd.f32 v42, v35  }
0xbb: {  	v36 =	vadd.f32 v59, v36;
	v63 =	vld.idx.msk [tilespmem:v63+s13+$0x0], $0xffff;
	v42 =	vadd.s32 $0x2403, v0  }
0xbc: {  	v17 =	vld.idx.msk [tilespmem:v60+s12+$0x0], $0xffff;
	v50 =	vadd.s32 v42, v51;
	[tilespmem:$0x1FED0] =	vst v35  }
0xbd: {  	v43 =	vadd.s32 $0x2405, v0;
	v35 =	vld.idx.msk [tilespmem:v55+s12+$0x0], $0xffff;
	[tilespmem:$0x1FEE0] =	vst v36  }
0xbe: {  	v52 =	vadd.s32 v43, v51;
	v46 =	vld.idx.msk [tilespmem:v55+s13+$0x0], $0xffff  }
0xbf: {  	v44 =	vadd.s32 $0x2407, v0;
	v48 =	vld.idx.msk [tilespmem:v58+s12+$0x0], $0xffff  }
0xc0: {  	v47 =	vimm.f32 $0.0e+00;
	v45 =	vimm.f32 $0.0e+00;
	v51 =	vadd.s32 v44, v51;
	v49 =	vld.idx.msk [tilespmem:v58+s13+$0x0], $0xffff  }
.LBB2_11:
0xc1: {  	s18 =	sadd.s32 $0x8, s18;
	v36 =	vld.idx.msk [tilespmem:v50+s12+$0x0], $0xffff  }
0xc2: {  	v53 =	vmov s18;
	v54 =	vadd.s32 s18, v37;
	p0 =	slt.u32 s18, $0x78;
	v50 =	vld.idx.msk [tilespmem:v50+s13+$0x0], $0xffff  }
0xc3: {  	v53 =	vand.u32 $0x78, v53;
	v55 =	vld.idx.msk [tilespmem:v52+s12+$0x0], $0xffff  }
0xc4: {  	v56 =	vadd.s32 s18, v38;
	v53 =	vbroadcast v53, $0x0;
	v52 =	vld.idx.msk [tilespmem:v52+s13+$0x0], $0xffff  }
0xc5: {  	v57 =	vld.idx.msk [tilespmem:v51+s12+$0x0], $0xffff  }
0xc6: {  	v59 =	vmul.f32 v8, v62;
	v17 =	vmul.f32 v26, v17;
	v58 =	vadd.s32 v39, v53;
	v51 =	vld.idx.msk [tilespmem:v51+s13+$0x0], $0xffff  }
0xc7: {  	v48 =	vmul.f32 v49, v48;
	v60 =	vadd.s32 v40, v53;
	v62 =	vld.idx.msk [tilespmem:v54+s12+$0x0], $0xffff  }
0xc8: {  	v45 =	vadd.f32 v59, v45;
	v47 =	vadd.f32 v17, v47;
	v36 =	vmul.f32 v50, v36;
	v8 =	vld.idx.msk [tilespmem:v54+s13+$0x0], $0xffff  }
0xc9: {  	v35 =	vmul.f32 v46, v35;
	v49 =	vadd.s32 v41, v53;
	v17 =	vld.idx.msk [tilespmem:v56+s12+$0x0], $0xffff  }
0xca: {  	v45 =	vadd.f32 v48, v45;
	v36 =	vadd.f32 v36, v47;
	v46 =	vmul.f32 v52, v55;
	v26 =	vld.idx.msk [tilespmem:v56+s13+$0x0], $0xffff  }
0xcb: {  	v50 =	vadd.s32 v42, v53;
	v47 =	vmul.f32 v63, v61;
	v61 =	vld.idx.msk [tilespmem:v58+s12+$0x0], $0xffff  }
.Ltmp4:
0xcc: {  	v45 =	vadd.f32 v35, v45;
	v36 =	vadd.f32 v46, v36;
	v48 =	vmul.f32 v51, v57;
	v63 =	vld.idx.msk [tilespmem:v58+s13+$0x0], $0xffff;
	(pc) =	sbr.rel @p0 .LBB2_11-.Ltmp4, $4  }
0xcd: {  	v35 =	vld.idx.msk [tilespmem:v60+s12+$0x0], $0xffff  }
0xce: {  	v52 =	vadd.s32 v43, v53;
	v45 =	vadd.f32 v47, v45;
	v47 =	vadd.f32 v48, v36;
	v46 =	vld.idx.msk [tilespmem:v60+s13+$0x0], $0xffff  }
0xcf: {  	v48 =	vld.idx.msk [tilespmem:v49+s12+$0x0], $0xffff  }
0xd0: {  	v51 =	vadd.s32 v44, v53;
	v49 =	vld.idx.msk [tilespmem:v49+s13+$0x0], $0xffff  }
0xd1: {  	_ =	sdelay $0x3  }
0xd2: {  	v36 =	vld.idx.msk [tilespmem:v50+s12+$0x0], $0xffff  }
0xd3: {  	v58 =	vld.idx.msk [tilespmem:v50+s13+$0x0], $0xffff  }
0xd4: {  	v53 =	vld.idx.msk [tilespmem:v52+s12+$0x0], $0xffff  }
0xd5: {  	v59 =	vld.idx.msk [tilespmem:v52+s13+$0x0], $0xffff  }
0xd6: {  	v17 =	vmul.f32 v26, v17;
	v26 =	vld.idx.msk [tilespmem:v51+s12+$0x0], $0xffff  }
0xd7: {  	v60 =	vld [tilespmem:$0x1FF90]  }
0xd8: {  	v8 =	vmul.f32 v8, v62;
	v62 =	vld [tilespmem:$0x1FFA0]  }
0xd9: {  	v54 =	vld [tilespmem:$0x1FF70]  }
0xda: {  	v56 =	vld [tilespmem:$0x1FF50]  }
0xdb: {  	v57 =	vld [tilespmem:$0x1FF60]  }
0xdc: {  	v52 =	vld [tilespmem:$0x1FEF0]  }
0xdd: {  	v48 =	vmul.f32 v49, v48;
	v49 =	vld.idx.msk [tilespmem:v51+s13+$0x0], $0xffff  }
0xde: {  	v51 =	vld [tilespmem:$0x1FF40]  }
0xdf: {  	v17 =	vadd.f32 v17, v47;
	v36 =	vmul.f32 v58, v36;
	v55 =	vmul.f32 v59, v53;
	v59 =	vld [tilespmem:$0x1FF80]  }
0xe0: {  	v8 =	vadd.f32 v8, v45;
	v45 =	vadd.f32 v62, v60;
	v60 =	vld [tilespmem:$0x1FF30]  }
0xe1: {  	v50 =	vadd.s32 $0x2480, v0;
	v62 =	vld [tilespmem:$0x1FF10];
	v17 =	vadd.f32 v36, v17  }
0xe2: {  	v35 =	vmul.f32 v46, v35;
	v47 =	vadd.f32 v57, v56;
	v58 =	vmul.f32 v63, v61;
	v63 =	vld [tilespmem:$0x1FF20]  }
0xe3: {  	v56 =	vld [tilespmem:$0x1FF00];
	v8 =	vadd.f32 v48, v8;
	v17 =	vadd.f32 v55, v17;
	v26 =	vmul.f32 v49, v26  }
0xe4: {  	v46 =	vadd.f32 v54, v45;
	v55 =	vld [tilespmem:$0x1FEE0]  }
0xe5: {  	v8 =	vadd.f32 v35, v8;
	v17 =	vadd.f32 v26, v17;
	v26 =	vld [tilespmem:$0x1FED0]  }
0xe6: {  	v57 =	vld.idx.msk [tilespmem:v50+s13+$0x0], $0xffff;
	v35 =	vsub.f32 v46, v59  }
0xe7: {  	v61 =	vadd.f32 v60, v47;
	v8 =	vadd.f32 v58, v8;
	v58 =	vld [tilespmem:$0x1FEB0]  }
0xe8: {  	v54 =	vld.idx.msk [tilespmem:v50+s12+$0x0], $0xffff;
	v47 =	vadd.f32 v63, v62  }
0xe9: {  	v35 =	vmul.f32 $5.000000000e-01, v35;
	v36 =	vsub.f32 v61, v51;
	v61 =	vld [tilespmem:$0x1FEC0]  }
0xea: {  	v62 =	vld [tilespmem:$0x1FFB0];
	v53 =	vadd.f32 v52, v47;
	v26 =	vadd.f32 v55, v26  }
0xeb: {  	v8 =	vadd.f32 v17, v8;
	v35 =	vadd.f32 $-3.200000000e+01, v35  }
0xec: {  	v36 =	vmul.f32 $5.000000000e-01, v36;
	v46 =	vsub.f32 v53, v56;
	v26 =	vadd.f32 v58, v26  }
0xed: {  	v8 =	vadd.f32 v54, v8;
	v17 =	vmul.f32 v35, v35  }
0xee: {  	v59 =	vadd.f32 $-3.200000000e+01, v36;
	v60 =	vmul.f32 $5.000000000e-01, v46;
	v26 =	vsub.f32 v26, v61  }
0xef: {  	v8 =	vsub.f32 v8, v57;
	v17 =	vadd.f32 v17, v62  }
0xf0: {  	v35 =	vmul.f32 v59, v59;
	v36 =	vadd.f32 $-3.200000000e+01, v60;
	v26 =	vmul.f32 $5.000000000e-01, v26  }
0xf1: {  	v8 =	vmul.f32 $5.000000000e-01, v8  }
0xf2: {  	s17 =	sadd.s32 $0x1, s17;
	v17 =	vadd.f32 v35, v17;
	v63 =	vmul.f32 v36, v36;
	v26 =	vadd.f32 $-3.200000000e+01, v26  }
0xf3: {  	p0 =	sne.s32 s17, $0x7D  }
.Ltmp5:
0xf4: {  	v8 =	vadd.f32 $-3.200000000e+01, v8;
	v17 =	vadd.f32 v63, v17;
	v26 =	vmul.f32 v26, v26;
	(pc) =	sbr.rel @p0 .LBB2_2-.Ltmp5, $3  }
0xf5: {  	_ = 	snop  }
0xf6: {  	v8 =	vmul.f32 v8, v8;
	v17 =	vadd.f32 v26, v17;
	_ =	sdelay $0x1  }
0xf7: {  	v8 =	vadd.f32 v8, v17  }
0xf8: {  	s17 =	simm.s32 $0x0;
	[tilespmem:$0x1FEA0] =	vst v50  }
.LBB2_14:
0xf9: {  	s18 =	smul.u32 $0x50, s17;
	_ =	sdelay $0x1  }
0xfa: {  	s18 =	sadd.s32 s7, s18  }
0xfb: {  	s18 =	sshrl.u32 s18, $0x3  }
0xfc: {  	[tilespmem:$0x1FFB0] =	vst v8;
	s18 =	sadd.s32 s6, s18  }
0xfd: {  	[tilespmem:s1], [sflag:$0x2] =	stream.linear.gather [hbm4b:s18+s1], $0x50, $0x38;
	[tilespmem:$0x5AB0] =	vst v63  }
0xfe: {  	_ =	swait.ge [sflag:s10], $0x50  }
0xff: {  	[sflag:s10] =	ssyncset.done $0x0  }
0x100: {  	s18 =	sadd.s32 $0x9C40, s18;
	[sflag:s10] =	ssyncadd.s32 $0xFFFFFFB0  }
0x101: {  	[tilespmem:s11], [sflag:$0x2] =	stream.linear.gather [hbm4b:s18+s1], $0x50, $0x38;
	[tilespmem:$0x5AB0] =	vst v63  }
0x102: {  	_ =	swait.ge [sflag:s10], $0x50  }
0x103: {  	[sflag:s10] =	ssyncset.done $0x0  }
0x104: {  	[sflag:s10] =	ssyncadd.s32 $0xFFFFFFB0  }
0x105: {  	[tilespmem:s12], [sflag:$0x1] =	stream.indirect.gather [hbm4b:s2+s11], $0x90, s1, s11, $0xb8;
	[tilespmem:$0x5AB0] =	vst v63  }
0x106: {  	_ = 	snop  }
0x107: {  	[tilespmem:s13], [sflag:$0x1] =	stream.indirect.gather [hbm4b:s3+s11], $0x90, s11, s11, $0xb8;
	[tilespmem:$0x5AB0] =	vst v63  }
0x108: {  	s18 =	simm.s32 $0x0;
	_ =	swait.ge [sflag:s14], $0x2D00  }
0x109: {  	v8 =	vmov s18;
	v17 =	vadd.s32 s18, v0;
	[sflag:s14] =	ssyncset.done $0x0  }
0x10a: {  	v8 =	vand.u32 $0x78, v8;
	[sflag:s14] =	ssyncadd.s32 $0xFFFFD300  }
0x10b: {  	v35 =	vadd.s32 s18, v1;
	v36 =	vbroadcast v8, $0x0;
	_ =	swait.ge [sflag:s14], $0x2D00  }
0x10c: {  	[sflag:s14] =	ssyncset.done $0x0  }
0x10d: {  	v50 =	vadd.s32 v4, v36;
	[sflag:s14] =	ssyncadd.s32 $0xFFFFD300  }
0x10e: {  	v8 =	vld.idx.msk [tilespmem:v17+s12+$0x0], $0xffff  }
0x10f: {  	v47 =	vadd.s32 v6, v36;
	v17 =	vld.idx.msk [tilespmem:v17+s13+$0x0], $0xffff  }
0x110: {  	v26 =	vld.idx.msk [tilespmem:v35+s12+$0x0], $0xffff  }
0x111: {  	v52 =	vadd.s32 v2, v36;
	v46 =	vld.idx.msk [tilespmem:v35+s13+$0x0], $0xffff  }
0x112: {  	v51 =	vld.idx.msk [tilespmem:v50+s12+$0x0], $0xffff  }
0x113: {  	v35 =	vld.idx.msk [tilespmem:v50+s13+$0x0], $0xffff;
	v50 =	vadd.s32 v3, v36  }
0x114: {  	v48 =	vld.idx.msk [tilespmem:v47+s12+$0x0], $0xffff  }
0x115: {  	v56 =	vadd.s32 v5, v36;
	v49 =	vld.idx.msk [tilespmem:v47+s13+$0x0], $0xffff  }
0x116: {  	v53 =	vld.idx.msk [tilespmem:v52+s12+$0x0], $0xffff  }
0x117: {  	v55 =	vadd.s32 v7, v36;
	v47 =	vimm.f32 $0.0e+00;
	v54 =	vld.idx.msk [tilespmem:v52+s13+$0x0], $0xffff;
	v52 =	vimm.f32 $0.0e+00  }
.LBB2_15:
0x118: {  	s18 =	sadd.s32 $0x8, s18;
	v36 =	vld.idx.msk [tilespmem:v50+s12+$0x0], $0xffff  }
0x119: {  	v57 =	vmov s18;
	v58 =	vadd.s32 s18, v0;
	p0 =	slt.u32 s18, $0x78;
	v50 =	vld.idx.msk [tilespmem:v50+s13+$0x0], $0xffff  }
0x11a: {  	v57 =	vand.u32 $0x78, v57;
	v59 =	vld.idx.msk [tilespmem:v56+s12+$0x0], $0xffff  }
0x11b: {  	v60 =	vadd.s32 s18, v1;
	v57 =	vbroadcast v57, $0x0;
	v56 =	vld.idx.msk [tilespmem:v56+s13+$0x0], $0xffff  }
0x11c: {  	v61 =	vld.idx.msk [tilespmem:v55+s12+$0x0], $0xffff  }
0x11d: {  	v63 =	vmul.f32 v17, v8;
	v26 =	vmul.f32 v46, v26;
	v62 =	vadd.s32 v6, v57;
	v55 =	vld.idx.msk [tilespmem:v55+s13+$0x0], $0xffff  }
0x11e: {  	v53 =	vmul.f32 v54, v53;
	v45 =	vadd.s32 v4, v57;
	v8 =	vld.idx.msk [tilespmem:v58+s12+$0x0], $0xffff  }
0x11f: {  	v47 =	vadd.f32 v63, v47;
	v52 =	vadd.f32 v26, v52;
	v36 =	vmul.f32 v50, v36;
	v17 =	vld.idx.msk [tilespmem:v58+s13+$0x0], $0xffff  }
0x120: {  	v35 =	vmul.f32 v35, v51;
	v54 =	vadd.s32 v2, v57;
	v26 =	vld.idx.msk [tilespmem:v60+s12+$0x0], $0xffff  }
0x121: {  	v47 =	vadd.f32 v53, v47;
	v36 =	vadd.f32 v36, v52;
	v51 =	vmul.f32 v56, v59;
	v46 =	vld.idx.msk [tilespmem:v60+s13+$0x0], $0xffff  }
0x122: {  	v50 =	vadd.s32 v3, v57;
	v52 =	vmul.f32 v49, v48;
	v48 =	vld.idx.msk [tilespmem:v62+s12+$0x0], $0xffff  }
.Ltmp6:
0x123: {  	v47 =	vadd.f32 v35, v47;
	v36 =	vadd.f32 v51, v36;
	v53 =	vmul.f32 v55, v61;
	v49 =	vld.idx.msk [tilespmem:v62+s13+$0x0], $0xffff;
	(pc) =	sbr.rel @p0 .LBB2_15-.Ltmp6, $4  }
0x124: {  	v51 =	vld.idx.msk [tilespmem:v45+s12+$0x0], $0xffff  }
0x125: {  	v56 =	vadd.s32 v5, v57;
	v47 =	vadd.f32 v52, v47;
	v52 =	vadd.f32 v53, v36;
	v35 =	vld.idx.msk [tilespmem:v45+s13+$0x0], $0xffff  }
0x126: {  	v53 =	vld.idx.msk [tilespmem:v54+s12+$0x0], $0xffff  }
0x127: {  	v55 =	vadd.s32 v7, v57;
	v54 =	vld.idx.msk [tilespmem:v54+s13+$0x0], $0xffff  }
0x128: {  	_ =	sdelay $0x2  }
0x129: {  	s18 =	simm.s32 $0x0  }
0x12a: {  	v36 =	vld.idx.msk [tilespmem:v50+s12+$0x0], $0xffff;
	v62 =	vmov s18  }
0x12b: {  	v45 =	vld.idx.msk [tilespmem:v50+s13+$0x0], $0xffff;
	v50 =	vand.u32 $0x78, v62  }
0x12c: {  	v61 =	vbroadcast v50, $0x0;
	v50 =	vld [tilespmem:$0x1FFC0];
	_ =	sdelay $0x7  }
0x12d: {  	v62 =	vld.idx.msk [tilespmem:v50+s12+$0x0], $0xffff  }
0x12e: {  	v8 =	vmul.f32 v17, v8;
	v17 =	vld.idx.msk [tilespmem:v50+s13+$0x0], $0xffff  }
0x12f: {  	v57 =	vld.idx.msk [tilespmem:v56+s12+$0x0], $0xffff  }
0x130: {  	v56 =	vld.idx.msk [tilespmem:v56+s13+$0x0], $0xffff  }
0x131: {  	v59 =	vld.idx.msk [tilespmem:v55+s12+$0x0], $0xffff;
	v60 =	vadd.s32 s18, v10  }
0x132: {  	v55 =	vld.idx.msk [tilespmem:v55+s13+$0x0], $0xffff;
	[tilespmem:$0x1FE60] =	vst v62  }
0x133: {  	[tilespmem:$0x1FE70] =	vst v17;
	v62 =	vadd.s32 v15, v61;
	v17 =	vmul.f32 v46, v26  }
0x134: {  	v63 =	vadd.f32 v8, v47;
	v26 =	vmul.f32 v54, v53  }
0x135: {  	v58 =	vadd.s32 s18, v9;
	v36 =	vmul.f32 v45, v36;
	v52 =	vadd.f32 v17, v52  }
0x136: {  	v35 =	vmul.f32 v35, v51;
	v8 =	vld.idx.msk [tilespmem:v60+s12+$0x0], $0xffff;
	v26 =	vadd.f32 v26, v63  }
0x137: {  	v47 =	vadd.s32 v13, v61;
	v17 =	vld.idx.msk [tilespmem:v60+s13+$0x0], $0xffff;
	v60 =	vmul.f32 v56, v57;
	v36 =	vadd.f32 v36, v52  }
0x138: {  	v48 =	vmul.f32 v49, v48;
	v26 =	vadd.f32 v35, v26;
	v52 =	vld.idx.msk [tilespmem:v62+s12+$0x0], $0xffff  }
0x139: {  	v45 =	vadd.s32 v11, v61;
	v63 =	vmul.f32 v55, v59;
	v53 =	vld.idx.msk [tilespmem:v62+s13+$0x0], $0xffff;
	v62 =	vadd.f32 v60, v36  }
0x13a: {  	v50 =	vld.idx.msk [tilespmem:v58+s12+$0x0], $0xffff;
	v26 =	vadd.f32 v48, v26  }
0x13b: {  	v49 =	vadd.s32 v12, v61;
	v54 =	vld.idx.msk [tilespmem:v58+s13+$0x0], $0xffff;
	v35 =	vadd.f32 v63, v62  }
0x13c: {  	v55 =	vld.idx.msk [tilespmem:v47+s12+$0x0], $0xffff;
	[tilespmem:$0x1FE80] =	vst v26  }
0x13d: {  	v56 =	vadd.s32 v14, v61;
	v26 =	vld.idx.msk [tilespmem:v47+s13+$0x0], $0xffff;
	[tilespmem:$0x1FE90] =	vst v35  }
0x13e: {  	v47 =	vld.idx.msk [tilespmem:v45+s12+$0x0], $0xffff  }
0x13f: {  	v51 =	vadd.s32 v16, v61;
	v46 =	vimm.f32 $0.0e+00;
	v35 =	vimm.f32 $0.0e+00;
	v48 =	vld.idx.msk [tilespmem:v45+s13+$0x0], $0xffff  }
.LBB2_17:
0x140: {  	s18 =	sadd.s32 $0x8, s18;
	v36 =	vld.idx.msk [tilespmem:v49+s12+$0x0], $0xffff  }
0x141: {  	v45 =	vmov s18;
	v57 =	vadd.s32 s18, v9;
	p0 =	slt.u32 s18, $0x78;
	v49 =	vld.idx.msk [tilespmem:v49+s13+$0x0], $0xffff  }
0x142: {  	v45 =	vand.u32 $0x78, v45;
	v58 =	vld.idx.msk [tilespmem:v56+s12+$0x0], $0xffff  }
0x143: {  	v59 =	vadd.s32 s18, v10;
	v45 =	vbroadcast v45, $0x0;
	v56 =	vld.idx.msk [tilespmem:v56+s13+$0x0], $0xffff  }
0x144: {  	v60 =	vld.idx.msk [tilespmem:v51+s12+$0x0], $0xffff  }
0x145: {  	v62 =	vmul.f32 v54, v50;
	v8 =	vmul.f32 v17, v8;
	v61 =	vadd.s32 v15, v45;
	v51 =	vld.idx.msk [tilespmem:v51+s13+$0x0], $0xffff  }
0x146: {  	v47 =	vmul.f32 v48, v47;
	v63 =	vadd.s32 v13, v45;
	v50 =	vld.idx.msk [tilespmem:v57+s12+$0x0], $0xffff  }
0x147: {  	v35 =	vadd.f32 v62, v35;
	v46 =	vadd.f32 v8, v46;
	v36 =	vmul.f32 v49, v36;
	v54 =	vld.idx.msk [tilespmem:v57+s13+$0x0], $0xffff  }
0x148: {  	v26 =	vmul.f32 v26, v55;
	v48 =	vadd.s32 v11, v45;
	v8 =	vld.idx.msk [tilespmem:v59+s12+$0x0], $0xffff  }
0x149: {  	v35 =	vadd.f32 v47, v35;
	v36 =	vadd.f32 v36, v46;
	v46 =	vmul.f32 v56, v58;
	v17 =	vld.idx.msk [tilespmem:v59+s13+$0x0], $0xffff  }
0x14a: {  	v49 =	vadd.s32 v12, v45;
	v47 =	vmul.f32 v53, v52;
	v52 =	vld.idx.msk [tilespmem:v61+s12+$0x0], $0xffff  }
.Ltmp7:
0x14b: {  	v35 =	vadd.f32 v26, v35;
	v36 =	vadd.f32 v46, v36;
	v46 =	vmul.f32 v51, v60;
	v53 =	vld.idx.msk [tilespmem:v61+s13+$0x0], $0xffff;
	(pc) =	sbr.rel @p0 .LBB2_17-.Ltmp7, $4  }
0x14c: {  	v55 =	vld.idx.msk [tilespmem:v63+s12+$0x0], $0xffff  }
0x14d: {  	v56 =	vadd.s32 v14, v45;
	v35 =	vadd.f32 v47, v35;
	v46 =	vadd.f32 v46, v36;
	v26 =	vld.idx.msk [tilespmem:v63+s13+$0x0], $0xffff  }
0x14e: {  	v47 =	vld.idx.msk [tilespmem:v48+s12+$0x0], $0xffff  }
0x14f: {  	v51 =	vadd.s32 v16, v45;
	v48 =	vld.idx.msk [tilespmem:v48+s13+$0x0], $0xffff  }
0x150: {  	s18 =	simm.s32 $0x0  }
0x151: {  	v57 =	vmov s18  }
0x152: {  	v57 =	vand.u32 $0x78, v57  }
0x153: {  	v61 =	vbroadcast v57, $0x0;
	v57 =	vld [tilespmem:$0x1FFD0];
	_ =	sdelay $0x5  }
0x154: {  	v36 =	vld.idx.msk [tilespmem:v49+s12+$0x0], $0xffff  }
0x155: {  	v45 =	vld.idx.msk [tilespmem:v49+s13+$0x0], $0xffff  }
0x156: {  	v62 =	vld.idx.msk [tilespmem:v57+s12+$0x0], $0xffff  }
0x157: {  	v49 =	vld.idx.msk [tilespmem:v56+s12+$0x0], $0xffff  }
0x158: {  	v57 =	vld.idx.msk [tilespmem:v57+s13+$0x0], $0xffff  }
0x159: {  	v56 =	vld.idx.msk [tilespmem:v56+s13+$0x0], $0xffff;
	v60 =	vadd.s32 s18, v19  }
0x15a: {  	v59 =	vld.idx.msk [tilespmem:v51+s12+$0x0], $0xffff;
	v50 =	vmul.f32 v54, v50  }
0x15b: {  	v51 =	vld.idx.msk [tilespmem:v51+s13+$0x0], $0xffff;
	v8 =	vmul.f32 v17, v8;
	[tilespmem:$0x1FE20] =	vst v62;
	v62 =	vadd.s32 v24, v61  }
0x15c: {  	v35 =	vadd.f32 v50, v35;
	v17 =	vmul.f32 v48, v47  }
0x15d: {  	v58 =	vadd.s32 s18, v18;
	v46 =	vadd.f32 v8, v46;
	v36 =	vmul.f32 v45, v36;
	[tilespmem:$0x1FE30] =	vst v57  }
0x15e: {  	v26 =	vmul.f32 v26, v55;
	v35 =	vadd.f32 v17, v35;
	v8 =	vld.idx.msk [tilespmem:v60+s12+$0x0], $0xffff  }
0x15f: {  	v47 =	vadd.s32 v22, v61;
	v63 =	vmul.f32 v56, v49;
	v36 =	vadd.f32 v36, v46;
	v17 =	vld.idx.msk [tilespmem:v60+s13+$0x0], $0xffff  }
0x160: {  	v26 =	vadd.f32 v26, v35;
	v60 =	vmul.f32 v53, v52;
	v56 =	vld.idx.msk [tilespmem:v62+s12+$0x0], $0xffff  }
0x161: {  	v45 =	vadd.s32 v20, v61;
	v57 =	vld.idx.msk [tilespmem:v62+s13+$0x0], $0xffff;
	v62 =	vadd.f32 v63, v36;
	v63 =	vmul.f32 v51, v59  }
0x162: {  	v54 =	vld.idx.msk [tilespmem:v58+s12+$0x0], $0xffff;
	v26 =	vadd.f32 v60, v26  }
0x163: {  	v49 =	vadd.s32 v21, v61;
	v58 =	vld.idx.msk [tilespmem:v58+s13+$0x0], $0xffff;
	v35 =	vadd.f32 v63, v62  }
0x164: {  	v59 =	vld.idx.msk [tilespmem:v47+s12+$0x0], $0xffff;
	[tilespmem:$0x1FE40] =	vst v26  }
0x165: {  	v51 =	vadd.s32 v23, v61;
	v26 =	vld.idx.msk [tilespmem:v47+s13+$0x0], $0xffff;
	[tilespmem:$0x1FE50] =	vst v35  }
0x166: {  	v47 =	vld.idx.msk [tilespmem:v45+s12+$0x0], $0xffff  }
0x167: {  	v50 =	vadd.s32 v25, v61;
	v46 =	vimm.f32 $0.0e+00;
	v35 =	vimm.f32 $0.0e+00;
	v48 =	vld.idx.msk [tilespmem:v45+s13+$0x0], $0xffff  }
.LBB2_19:
0x168: {  	s18 =	sadd.s32 $0x8, s18;
	v36 =	vld.idx.msk [tilespmem:v49+s12+$0x0], $0xffff  }
0x169: {  	v45 =	vmov s18;
	v52 =	vadd.s32 s18, v18;
	p0 =	slt.u32 s18, $0x78;
	v49 =	vld.idx.msk [tilespmem:v49+s13+$0x0], $0xffff  }
0x16a: {  	v45 =	vand.u32 $0x78, v45;
	v53 =	vld.idx.msk [tilespmem:v51+s12+$0x0], $0xffff  }
0x16b: {  	v55 =	vadd.s32 s18, v19;
	v45 =	vbroadcast v45, $0x0;
	v51 =	vld.idx.msk [tilespmem:v51+s13+$0x0], $0xffff  }
0x16c: {  	v60 =	vld.idx.msk [tilespmem:v50+s12+$0x0], $0xffff  }
0x16d: {  	v62 =	vmul.f32 v58, v54;
	v8 =	vmul.f32 v17, v8;
	v61 =	vadd.s32 v24, v45;
	v50 =	vld.idx.msk [tilespmem:v50+s13+$0x0], $0xffff  }
0x16e: {  	v47 =	vmul.f32 v48, v47;
	v63 =	vadd.s32 v22, v45;
	v54 =	vld.idx.msk [tilespmem:v52+s12+$0x0], $0xffff  }
0x16f: {  	v35 =	vadd.f32 v62, v35;
	v46 =	vadd.f32 v8, v46;
	v36 =	vmul.f32 v49, v36;
	v58 =	vld.idx.msk [tilespmem:v52+s13+$0x0], $0xffff  }
0x170: {  	v26 =	vmul.f32 v26, v59;
	v48 =	vadd.s32 v20, v45;
	v8 =	vld.idx.msk [tilespmem:v55+s12+$0x0], $0xffff  }
0x171: {  	v35 =	vadd.f32 v47, v35;
	v36 =	vadd.f32 v36, v46;
	v46 =	vmul.f32 v51, v53;
	v17 =	vld.idx.msk [tilespmem:v55+s13+$0x0], $0xffff  }
0x172: {  	v49 =	vadd.s32 v21, v45;
	v47 =	vmul.f32 v57, v56;
	v56 =	vld.idx.msk [tilespmem:v61+s12+$0x0], $0xffff  }
.Ltmp8:
0x173: {  	v35 =	vadd.f32 v26, v35;
	v36 =	vadd.f32 v46, v36;
	v46 =	vmul.f32 v50, v60;
	v57 =	vld.idx.msk [tilespmem:v61+s13+$0x0], $0xffff;
	(pc) =	sbr.rel @p0 .LBB2_19-.Ltmp8, $4  }
0x174: {  	v59 =	vld.idx.msk [tilespmem:v63+s12+$0x0], $0xffff  }
0x175: {  	v51 =	vadd.s32 v23, v45;
	v35 =	vadd.f32 v47, v35;
	v46 =	vadd.f32 v46, v36;
	v26 =	vld.idx.msk [tilespmem:v63+s13+$0x0], $0xffff  }
0x176: {  	v47 =	vld.idx.msk [tilespmem:v48+s12+$0x0], $0xffff  }
0x177: {  	v50 =	vadd.s32 v25, v45;
	v48 =	vld.idx.msk [tilespmem:v48+s13+$0x0], $0xffff  }
0x178: {  	v61 =	vld [tilespmem:$0x1FFE0];
	_ =	sdelay $0x5  }
0x179: {  	v36 =	vld.idx.msk [tilespmem:v49+s12+$0x0], $0xffff  }
0x17a: {  	v45 =	vld.idx.msk [tilespmem:v49+s13+$0x0], $0xffff  }
0x17b: {  	v62 =	vld.idx.msk [tilespmem:v61+s12+$0x0], $0xffff  }
0x17c: {  	v49 =	vld.idx.msk [tilespmem:v51+s12+$0x0], $0xffff  }
0x17d: {  	v51 =	vld.idx.msk [tilespmem:v51+s13+$0x0], $0xffff  }
0x17e: {  	v63 =	vld.idx.msk [tilespmem:v50+s12+$0x0], $0xffff  }
0x17f: {  	s18 =	simm.s32 $0x0;
	v50 =	vld.idx.msk [tilespmem:v50+s13+$0x0], $0xffff  }
0x180: {  	v52 =	vmov s18;
	[tilespmem:$0x1FDE0] =	vst v62;
	v62 =	vld.idx.msk [tilespmem:v61+s13+$0x0], $0xffff  }
0x181: {  	v53 =	vadd.s32 s18, v27;
	v52 =	vand.u32 $0x78, v52  }
0x182: {  	v55 =	vbroadcast v52, $0x0;
	v52 =	vmul.f32 v58, v54  }
0x183: {  	v8 =	vmul.f32 v17, v8;
	v60 =	vadd.s32 s18, v28  }
0x184: {  	v17 =	vmul.f32 v48, v47;
	v35 =	vadd.f32 v52, v35  }
0x185: {  	v46 =	vadd.f32 v8, v46;
	v36 =	vmul.f32 v45, v36;
	v61 =	vadd.s32 v33, v55;
	[tilespmem:$0x1FDF0] =	vst v62  }
0x186: {  	v26 =	vmul.f32 v26, v59;
	v35 =	vadd.f32 v17, v35;
	v58 =	vld.idx.msk [tilespmem:v53+s12+$0x0], $0xffff  }
0x187: {  	v52 =	vadd.s32 v31, v55;
	v54 =	vmul.f32 v51, v49;
	v36 =	vadd.f32 v36, v46;
	v62 =	vld.idx.msk [tilespmem:v53+s13+$0x0], $0xffff  }
0x188: {  	v57 =	vmul.f32 v57, v56;
	v35 =	vadd.f32 v26, v35;
	v8 =	vld.idx.msk [tilespmem:v60+s12+$0x0], $0xffff  }
0x189: {  	v45 =	vadd.s32 v29, v55;
	v59 =	vmul.f32 v50, v63;
	v36 =	vadd.f32 v54, v36;
	v17 =	vld.idx.msk [tilespmem:v60+s13+$0x0], $0xffff  }
0x18a: {  	v35 =	vadd.f32 v57, v35;
	v60 =	vld.idx.msk [tilespmem:v61+s12+$0x0], $0xffff  }
0x18b: {  	v50 =	vadd.s32 v30, v55;
	v63 =	vadd.f32 v59, v36;
	v61 =	vld.idx.msk [tilespmem:v61+s13+$0x0], $0xffff  }
0x18c: {  	v26 =	vld.idx.msk [tilespmem:v52+s12+$0x0], $0xffff;
	[tilespmem:$0x1FE00] =	vst v35  }
0x18d: {  	v46 =	vld.idx.msk [tilespmem:v52+s13+$0x0], $0xffff;
	[tilespmem:$0x1FE10] =	vst v63;
	v52 =	vadd.s32 v32, v55  }
0x18e: {  	v48 =	vld.idx.msk [tilespmem:v45+s12+$0x0], $0xffff  }
0x18f: {  	v47 =	vimm.f32 $0.0e+00;
	v51 =	vadd.s32 v34, v55;
	v35 =	vimm.f32 $0.0e+00;
	v49 =	vld.idx.msk [tilespmem:v45+s13+$0x0], $0xffff  }
.LBB2_21:
0x190: {  	s18 =	sadd.s32 $0x8, s18;
	v36 =	vld.idx.msk [tilespmem:v50+s12+$0x0], $0xffff  }
0x191: {  	v45 =	vmov s18;
	v53 =	vadd.s32 s18, v27;
	p0 =	slt.u32 s18, $0x78;
	v50 =	vld.idx.msk [tilespmem:v50+s13+$0x0], $0xffff  }
0x192: {  	v45 =	vand.u32 $0x78, v45;
	v55 =	vld.idx.msk [tilespmem:v52+s12+$0x0], $0xffff  }
0x193: {  	v59 =	vadd.s32 s18, v28;
	v45 =	vbroadcast v45, $0x0;
	v52 =	vld.idx.msk [tilespmem:v52+s13+$0x0], $0xffff  }
0x194: {  	v63 =	vld.idx.msk [tilespmem:v51+s12+$0x0], $0xffff  }
0x195: {  	v56 =	vmul.f32 v62, v58;
	v8 =	vmul.f32 v17, v8;
	v54 =	vadd.s32 v33, v45;
	v51 =	vld.idx.msk [tilespmem:v51+s13+$0x0], $0xffff  }
0x196: {  	v48 =	vmul.f32 v49, v48;
	v57 =	vadd.s32 v31, v45;
	v58 =	vld.idx.msk [tilespmem:v53+s12+$0x0], $0xffff  }
0x197: {  	v35 =	vadd.f32 v56, v35;
	v47 =	vadd.f32 v8, v47;
	v36 =	vmul.f32 v50, v36;
	v62 =	vld.idx.msk [tilespmem:v53+s13+$0x0], $0xffff  }
0x198: {  	v26 =	vmul.f32 v46, v26;
	v49 =	vadd.s32 v29, v45;
	v8 =	vld.idx.msk [tilespmem:v59+s12+$0x0], $0xffff  }
0x199: {  	v35 =	vadd.f32 v48, v35;
	v36 =	vadd.f32 v36, v47;
	v46 =	vmul.f32 v52, v55;
	v17 =	vld.idx.msk [tilespmem:v59+s13+$0x0], $0xffff  }
0x19a: {  	v50 =	vadd.s32 v30, v45;
	v47 =	vmul.f32 v61, v60;
	v60 =	vld.idx.msk [tilespmem:v54+s12+$0x0], $0xffff  }
.Ltmp9:
0x19b: {  	v35 =	vadd.f32 v26, v35;
	v36 =	vadd.f32 v46, v36;
	v48 =	vmul.f32 v51, v63;
	v61 =	vld.idx.msk [tilespmem:v54+s13+$0x0], $0xffff;
	(pc) =	sbr.rel @p0 .LBB2_21-.Ltmp9, $4  }
0x19c: {  	v26 =	vld.idx.msk [tilespmem:v57+s12+$0x0], $0xffff  }
0x19d: {  	v52 =	vadd.s32 v32, v45;
	v35 =	vadd.f32 v47, v35;
	v47 =	vadd.f32 v48, v36;
	v46 =	vld.idx.msk [tilespmem:v57+s13+$0x0], $0xffff  }
0x19e: {  	v48 =	vld.idx.msk [tilespmem:v49+s12+$0x0], $0xffff  }
0x19f: {  	v51 =	vadd.s32 v34, v45;
	v49 =	vld.idx.msk [tilespmem:v49+s13+$0x0], $0xffff  }
0x1a0: {  	v59 =	vld [tilespmem:$0x1FFF0];
	_ =	sdelay $0x5  }
0x1a1: {  	v36 =	vld.idx.msk [tilespmem:v50+s12+$0x0], $0xffff  }
0x1a2: {  	v45 =	vld.idx.msk [tilespmem:v50+s13+$0x0], $0xffff  }
0x1a3: {  	v57 =	vld.idx.msk [tilespmem:v59+s12+$0x0], $0xffff  }
0x1a4: {  	v50 =	vld.idx.msk [tilespmem:v52+s12+$0x0], $0xffff  }
0x1a5: {  	s18 =	simm.s32 $0x0;
	v63 =	vld.idx.msk [tilespmem:v59+s13+$0x0], $0xffff  }
0x1a6: {  	v52 =	vld.idx.msk [tilespmem:v52+s13+$0x0], $0xffff;
	v54 =	vadd.s32 s18, v37  }
0x1a7: {  	v55 =	vld.idx.msk [tilespmem:v51+s12+$0x0], $0xffff;
	v53 =	vmov s18  }
0x1a8: {  	v51 =	vld.idx.msk [tilespmem:v51+s13+$0x0], $0xffff;
	v53 =	vand.u32 $0x78, v53;
	[tilespmem:$0x1FDA0] =	vst v57;
	v57 =	vmul.f32 v62, v58  }
0x1a9: {  	v8 =	vmul.f32 v17, v8;
	v56 =	vadd.s32 s18, v38;
	v53 =	vbroadcast v53, $0x0  }
0x1aa: {  	v48 =	vmul.f32 v49, v48;
	[tilespmem:$0x1FDB0] =	vst v63;
	v62 =	vadd.f32 v57, v35  }
0x1ab: {  	v8 =	vadd.f32 v8, v47;
	v36 =	vmul.f32 v45, v36;
	v58 =	vadd.s32 v39, v53;
	v63 =	vld.idx.msk [tilespmem:v54+s12+$0x0], $0xffff  }
0x1ac: {  	v45 =	vmul.f32 v46, v26;
	v17 =	vld.idx.msk [tilespmem:v54+s13+$0x0], $0xffff;
	v54 =	vadd.f32 v48, v62  }
0x1ad: {  	v36 =	vadd.f32 v36, v8;
	v59 =	vmul.f32 v52, v50;
	v57 =	vadd.s32 v40, v53  }
0x1ae: {  	v60 =	vmul.f32 v61, v60;
	v26 =	vld.idx.msk [tilespmem:v56+s13+$0x0], $0xffff;
	v45 =	vadd.f32 v45, v54  }
0x1af: {  	v49 =	vadd.s32 v41, v53;
	v61 =	vmul.f32 v51, v55;
	v36 =	vadd.f32 v59, v36;
	v35 =	vld.idx.msk [tilespmem:v56+s12+$0x0], $0xffff  }
0x1b0: {  	v62 =	vld.idx.msk [tilespmem:v58+s12+$0x0], $0xffff;
	v45 =	vadd.f32 v60, v45  }
0x1b1: {  	v52 =	vadd.s32 v42, v53;
	v36 =	vadd.f32 v61, v36;
	v8 =	vld.idx.msk [tilespmem:v58+s13+$0x0], $0xffff  }
0x1b2: {  	v46 =	vld.idx.msk [tilespmem:v57+s12+$0x0], $0xffff;
	[tilespmem:$0x1FDC0] =	vst v45  }
0x1b3: {  	v47 =	vld.idx.msk [tilespmem:v57+s13+$0x0], $0xffff;
	[tilespmem:$0x1FDD0] =	vst v36;
	v36 =	vadd.s32 v43, v53  }
0x1b4: {  	v50 =	vld.idx.msk [tilespmem:v49+s12+$0x0], $0xffff  }
0x1b5: {  	v48 =	vimm.f32 $0.0e+00;
	v53 =	vadd.s32 v44, v53;
	v51 =	vld.idx.msk [tilespmem:v49+s13+$0x0], $0xffff;
	v49 =	vimm.f32 $0.0e+00  }
.LBB2_23:
0x1b6: {  	s18 =	sadd.s32 $0x8, s18;
	v45 =	vld.idx.msk [tilespmem:v52+s12+$0x0], $0xffff  }
0x1b7: {  	v54 =	vmov s18;
	v55 =	vadd.s32 s18, v37;
	p0 =	slt.u32 s18, $0x78;
	v52 =	vld.idx.msk [tilespmem:v52+s13+$0x0], $0xffff  }
0x1b8: {  	v54 =	vand.u32 $0x78, v54;
	v56 =	vld.idx.msk [tilespmem:v36+s12+$0x0], $0xffff  }
0x1b9: {  	v57 =	vadd.s32 s18, v38;
	v54 =	vbroadcast v54, $0x0;
	v36 =	vld.idx.msk [tilespmem:v36+s13+$0x0], $0xffff  }
0x1ba: {  	v58 =	vld.idx.msk [tilespmem:v53+s12+$0x0], $0xffff  }
0x1bb: {  	v60 =	vmul.f32 v17, v63;
	v26 =	vmul.f32 v26, v35;
	v59 =	vadd.s32 v39, v54;
	v53 =	vld.idx.msk [tilespmem:v53+s13+$0x0], $0xffff  }
0x1bc: {  	v50 =	vmul.f32 v51, v50;
	v61 =	vadd.s32 v40, v54;
	v63 =	vld.idx.msk [tilespmem:v55+s12+$0x0], $0xffff  }
0x1bd: {  	v48 =	vadd.f32 v60, v48;
	v49 =	vadd.f32 v26, v49;
	v45 =	vmul.f32 v52, v45;
	v17 =	vld.idx.msk [tilespmem:v55+s13+$0x0], $0xffff  }
0x1be: {  	v46 =	vmul.f32 v47, v46;
	v51 =	vadd.s32 v41, v54;
	v35 =	vld.idx.msk [tilespmem:v57+s12+$0x0], $0xffff  }
0x1bf: {  	v47 =	vadd.f32 v50, v48;
	v45 =	vadd.f32 v45, v49;
	v36 =	vmul.f32 v36, v56;
	v26 =	vld.idx.msk [tilespmem:v57+s13+$0x0], $0xffff  }
0x1c0: {  	v52 =	vadd.s32 v42, v54;
	v48 =	vmul.f32 v8, v62;
	v62 =	vld.idx.msk [tilespmem:v59+s12+$0x0], $0xffff  }
.Ltmp10:
0x1c1: {  	v49 =	vadd.f32 v46, v47;
	v45 =	vadd.f32 v36, v45;
	v50 =	vmul.f32 v53, v58;
	v8 =	vld.idx.msk [tilespmem:v59+s13+$0x0], $0xffff;
	(pc) =	sbr.rel @p0 .LBB2_23-.Ltmp10, $4  }
0x1c2: {  	v46 =	vld.idx.msk [tilespmem:v61+s12+$0x0], $0xffff  }
0x1c3: {  	v36 =	vadd.s32 v43, v54;
	v48 =	vadd.f32 v48, v49;
	v49 =	vadd.f32 v50, v45;
	v47 =	vld.idx.msk [tilespmem:v61+s13+$0x0], $0xffff  }
0x1c4: {  	v50 =	vld.idx.msk [tilespmem:v51+s12+$0x0], $0xffff  }
0x1c5: {  	v53 =	vadd.s32 v44, v54;
	v51 =	vld.idx.msk [tilespmem:v51+s13+$0x0], $0xffff  }
0x1c6: {  	_ =	sdelay $0x3  }
0x1c7: {  	v45 =	vld.idx.msk [tilespmem:v52+s12+$0x0], $0xffff  }
0x1c8: {  	v60 =	vld.idx.msk [tilespmem:v52+s13+$0x0], $0xffff  }
0x1c9: {  	v54 =	vld.idx.msk [tilespmem:v36+s12+$0x0], $0xffff  }
0x1ca: {  	v61 =	vld.idx.msk [tilespmem:v36+s13+$0x0], $0xffff  }
0x1cb: {  	v26 =	vmul.f32 v26, v35;
	v35 =	vld.idx.msk [tilespmem:v53+s12+$0x0], $0xffff  }
0x1cc: {  	v55 =	vld [tilespmem:$0x1FE80]  }
0x1cd: {  	v56 =	vld [tilespmem:$0x1FE90]  }
0x1ce: {  	v57 =	vld.idx.msk [tilespmem:v53+s13+$0x0], $0xffff  }
0x1cf: {  	v58 =	vld [tilespmem:$0x1FE60]  }
0x1d0: {  	v59 =	vld [tilespmem:$0x1FE40]  }
0x1d1: {  	v8 =	vmul.f32 v8, v62;
	v62 =	vld [tilespmem:$0x1FE20]  }
0x1d2: {  	v17 =	vmul.f32 v17, v63;
	v63 =	vld [tilespmem:$0x1FE00]  }
0x1d3: {  	v52 =	vld [tilespmem:$0x1FE10]  }
0x1d4: {  	v53 =	vld [tilespmem:$0x1FE30]  }
0x1d5: {  	v45 =	vmul.f32 v60, v45;
	v60 =	vld [tilespmem:$0x1FE50]  }
0x1d6: {  	v17 =	vadd.f32 v17, v48;
	v48 =	vadd.f32 v56, v55;
	v55 =	vld [tilespmem:$0x1FEA0]  }
0x1d7: {  	v26 =	vadd.f32 v26, v49;
	v50 =	vmul.f32 v51, v50;
	v36 =	vmul.f32 v61, v54;
	v61 =	vld [tilespmem:$0x1FE70]  }
0x1d8: {  	v46 =	vmul.f32 v47, v46;
	v54 =	vld [tilespmem:$0x1FDE0]  }
0x1d9: {  	v35 =	vmul.f32 v57, v35;
	v57 =	vld [tilespmem:$0x1FDC0];
	v17 =	vadd.f32 v50, v17;
	v26 =	vadd.f32 v45, v26  }
0x1da: {  	v47 =	vadd.f32 v58, v48;
	v58 =	vld [tilespmem:$0x1FDD0];
	v45 =	vadd.f32 v60, v59  }
0x1db: {  	v17 =	vadd.f32 v46, v17;
	v26 =	vadd.f32 v36, v26;
	v59 =	vld [tilespmem:$0x1FDF0]  }
0x1dc: {  	v46 =	vsub.f32 v47, v61;
	v61 =	vld [tilespmem:$0x1FDA0];
	v45 =	vadd.f32 v62, v45  }
0x1dd: {  	v47 =	vadd.f32 v52, v63;
	v8 =	vadd.f32 v8, v17;
	v63 =	vld [tilespmem:$0x1FDB0]  }
0x1de: {  	v26 =	vadd.f32 v35, v26;
	v17 =	vmul.f32 $5.000000000e-01, v46;
	v56 =	vld.idx.msk [tilespmem:v55+s12+$0x0], $0xffff;
	v36 =	vsub.f32 v45, v53  }
0x1df: {  	v35 =	vadd.f32 v58, v57;
	v45 =	vadd.f32 v54, v47  }
0x1e0: {  	v60 =	vld.idx.msk [tilespmem:v55+s13+$0x0], $0xffff;
	v8 =	vadd.f32 v26, v8;
	v17 =	vadd.f32 $-3.200000000e+01, v17;
	v36 =	vmul.f32 $5.000000000e-01, v36  }
0x1e1: {  	v35 =	vadd.f32 v61, v35;
	v45 =	vsub.f32 v45, v59  }
0x1e2: {  	v17 =	vsub.f32 $0.0e+00, v17;
	v26 =	vadd.f32 $-3.200000000e+01, v36  }
0x1e3: {  	v35 =	vsub.f32 v35, v63;
	v62 =	vmul.f32 $5.000000000e-01, v45;
	v8 =	vadd.f32 v56, v8  }
0x1e4: {  	v17 =	vmul.f32 $1.442695020e+00, v17;
	v26 =	vsub.f32 $0.0e+00, v26  }
0x1e5: {  	v35 =	vmul.f32 $5.000000000e-01, v35;
	v36 =	vadd.f32 $-3.200000000e+01, v62;
	v8 =	vsub.f32 v8, v60  }
0x1e6: {  	(erf) = vpow2.f32 v17;
	v17 =	vmul.f32 $1.442695020e+00, v26  }
0x1e7: {  	v35 =	vadd.f32 $-3.200000000e+01, v35;
	v26 =	vsub.f32 $0.0e+00, v36;
	v8 =	vmul.f32 $5.000000000e-01, v8  }
0x1e8: {  	(erf) = vpow2.f32 v17  }
0x1e9: {  	v17 =	vmul.f32 $1.442695020e+00, v26;
	v26 =	vsub.f32 $0.0e+00, v35;
	v8 =	vadd.f32 $-3.200000000e+01, v8;
	_ =	sdelay $0x1  }
0x1ea: {  	(erf) = vpow2.f32 v17;
	v17 =	vmul.f32 $1.442695020e+00, v26;
	v8 =	vsub.f32 $0.0e+00, v8;
	_ =	sdelay $0x1  }
0x1eb: {  	(erf) = vpow2.f32 v17;
	v8 =	vmul.f32 $1.442695020e+00, v8;
	v17 =	vld [tilespmem:$0x1FFB0];
	_ =	sdelay $0x2  }
0x1ec: {  	(erf) = vpow2.f32 v8  }
0x1ed: {  	v8 =	vpop (erf)  }
0x1ee: {  	v8 =	vadd.f32 v8, v17  }
0x1ef: {  	v17 =	vpop (erf)  }
0x1f0: {  	s17 =	sadd.s32 $0x1, s17;
	v8 =	vadd.f32 v17, v8  }
0x1f1: {  	p0 =	sne.s32 s17, $0x7D;
	v17 =	vpop (erf)  }
.Ltmp11:
0x1f2: {  	v8 =	vadd.f32 v17, v8;
	(pc) =	sbr.rel @p0 .LBB2_14-.Ltmp11, $4  }
0x1f3: {  	v17 =	vpop (erf)  }
0x1f4: {  	v8 =	vadd.f32 v17, v8  }
0x1f5: {  	v17 =	vpop (erf)  }
0x1f6: {  	v8 =	vadd.f32 v17, v8  }
0x1f7: {  	s16 =	sadd.s32 $0x1, s16  }
0x1f8: {  	p0 =	sne.s32 s16, s9  }
.Ltmp12:
0x1f9: {  	[tilespmem:$0x5AA0] =	vst v8;
	(pc) =	sbr.rel @p0 .LBB2_1-.Ltmp12, $4  }
0x1fa: {  	[hbm4b:s8+s1] =	stream.linear.scatter [tilespmem:s15], [sflag:$0x2], $0x10, $0x38;
	[tilespmem:$0x5AB0] =	vst v63  }
0x1fb: {  	_ =	swait.ge [sflag:s10], $0x10  }
0x1fc: {  	[sflag:s10] =	ssyncset.done $0x0  }
0x1fd: {  	[sflag:s10] =	ssyncadd.s32 $0xFFFFFFF0  }
0x1fe: {  	_ =	sfence.sel $0x180000  }
0x1ff: {  	[bflag:$0x0] =	sbarrier.arrive $0xFFFF  }
0x200: {  	p0 =	sne.s32 s4, $0x0;
	_ =	strace $0x9000004A  }
0x201: {  	s0 =	sadd.s32 @!p0 $0x100000, s0;
	[bflag:$0x2] =	sbarrier.arrive $0xFFFF  }
0x202: {  	[sflag:s0] =	ssyncadd.tile.s32 @!p0 $0x1;
	_ =	shalt  }
.Lfunc_end2:
_tile_overlayer_lowered:
.L_overlay_start_2:
0x203: {  	(tag) =	ssettag $0x2  }
0x204: {  	s0 =	rddreg [dreg:$0x0];
	s2 =	stileid.u32  }
0x205: {  	s1 =	rddreg [dreg:$0x1];
	p0 =	sne.s32 s2, $0x0  }
0x206: {  	s3 =	rddreg [dreg:$0x2];
	[bflag:$0x3] =	sbarrier.arrive $0xFFFF;
	s2 =	simm.s32 @!p0 $0x1C02  }
0x207: {  	[timem:s3], [sflag:s2] =	dma.local @!p0 [hbm:s0], s1  }
0x208: {  	s0 =	simm.s32 @!p0 $0x2  }
0x209: {  	_ =	swait.ge @!p0 [sflag:s0], s1  }
0x20a: {  	s1 =	ssub.s32 @!p0 $0x0, s1;
	[sflag:s0] =	ssyncset.done @!p0 $0x0  }
0x20b: {  	[sflag:s0] =	ssyncadd.s32 @!p0 s1  }
0x20c: {  	[bflag:$0x3] =	sbarrier.arrive $0xFFFF  }
0x20d: {  	_ =	shalt  }

</sc_bundles>
